<compile_context>
chip_gen: v7x
topology: tpu7x:2x2x1
jax: 0.10.2.dev20260603
libtpu: 0.0.44.dev20260713+nightly
codegen_flags: <defaults>
</compile_context>

<pallas_src>
import functools

import jax
import jax.numpy as jnp
from jax import lax
from jax.experimental import pallas as pl
from jax.experimental.pallas import tpu as pltpu
from jax.experimental.pallas import tpu_sc as plsc

N_NODES = 10000
D = 128
E = 320000
NC = 2
NS = 16
NW = NC * NS
E_PER_TILE = E // NW
CHUNK = 64
FULL = E_PER_TILE // CHUNK
NBUF = 4
TAIL = E_PER_TILE - FULL * CHUNK
ROWS_PER_TILE = 624
ROWS_TAIL = N_NODES - NS * ROWS_PER_TILE
MLP_BLOCK = 2000


def _sc_aggregate(h, ei):
    mesh = plsc.VectorSubcoreMesh(core_axis_name="c", subcore_axis_name="s")

    @functools.partial(
        pl.kernel,
        mesh=mesh,
        out_type=jax.ShapeDtypeStruct((NC, N_NODES, D), jnp.float32),
        scratch_types=[
            pltpu.VMEM((E_PER_TILE,), jnp.int32),
            *[pltpu.VMEM((CHUNK,), jnp.int32) for _ in range(NBUF)],
            *[pltpu.VMEM((CHUNK, D), jnp.float32) for _ in range(NBUF)],
            pltpu.VMEM_SHARED((N_NODES, D), jnp.float32),
            *[pltpu.SemaphoreType.DMA for _ in range(2 * NBUF)],
            *([pltpu.VMEM((TAIL,), jnp.int32),
               pltpu.VMEM((TAIL, D), jnp.float32),
               pltpu.SemaphoreType.DMA,
               pltpu.SemaphoreType.DMA] if TAIL else []),
        ],
        compiler_params=pltpu.CompilerParams(use_tc_tiling_on_sc=False),
    )
    def agg_kernel(h_hbm, ei_hbm, out_hbm, *scr):
        sidx = scr[0]
        ridxs = scr[1:1 + NBUF]
        rowss = scr[1 + NBUF:1 + 2 * NBUF]
        agg = scr[1 + 2 * NBUF]
        gsems = scr[2 + 2 * NBUF:2 + 3 * NBUF]
        rsems = scr[2 + 3 * NBUF:2 + 4 * NBUF]
        if TAIL:
            ridxt, rowst, gsemt, rsemt = scr[2 + 4 * NBUF:6 + 4 * NBUF]
        rows0 = rowss[0]
        c = lax.axis_index("c")
        s = lax.axis_index("s")
        w = c * NS + s
        ebase = w * E_PER_TILE

        pltpu.sync_copy(ei_hbm.at[0, pl.ds(ebase, E_PER_TILE)], sidx)

        zero = jnp.zeros((16,), jnp.float32)

        def zrow(r, carry):
            for cc in range(D // 16):
                rows0[r, pl.ds(cc * 16, 16)] = zero
            return carry

        lax.fori_loop(0, CHUNK, zrow, 0)
        for kpart in range(ROWS_PER_TILE // CHUNK):
            pltpu.sync_copy(
                rows0, agg.at[pl.ds(s * ROWS_PER_TILE + kpart * CHUNK, CHUNK)])
        zrem = ROWS_PER_TILE % CHUNK
        if zrem:
            pltpu.sync_copy(
                rows0.at[pl.ds(0, zrem)],
                agg.at[pl.ds(s * ROWS_PER_TILE + ROWS_PER_TILE - zrem, zrem)])

        @pl.when(s == NS - 1)
        def _zero_tail():
            pltpu.sync_copy(
                rows0.at[pl.ds(0, ROWS_TAIL)],
                agg.at[pl.ds(NS * ROWS_PER_TILE, ROWS_TAIL)])

        plsc.subcore_barrier()

        def gfire(j, buf, gsem):
            pltpu.async_copy(
                h_hbm.at[sidx.at[pl.ds(j * CHUNK, CHUNK)]], buf, gsem)

        def gwait(buf, gsem):
            pltpu.make_async_copy(
                h_hbm.at[sidx.at[pl.ds(0, CHUNK)]], buf, gsem).wait()

        def rfire(j, rbuf, rsem):
            pltpu.async_copy(
                ei_hbm.at[1, pl.ds(ebase + j * CHUNK, CHUNK)], rbuf, rsem)

        def rwait(rbuf, rsem):
            pltpu.make_async_copy(
                ei_hbm.at[1, pl.ds(0, CHUNK)], rbuf, rsem).wait()

        def fire(j, k):
            gfire(j, rowss[k], gsems[k])
            rfire(j, ridxs[k], rsems[k])

        def waitb(k):
            gwait(rowss[k], gsems[k])
            rwait(ridxs[k], rsems[k])

        def scatb(k):
            pltpu.sync_copy(rowss[k], agg.at[ridxs[k]], add=True)

        for k in range(NBUF - 1):
            fire(k, k)

        def chunk_quad(i, carry):
            j = NBUF * i
            for k in range(NBUF):
                fire(j + NBUF - 1 + k, (NBUF - 1 + k) % NBUF)
                waitb(k)
                scatb(k)
            return carry

        lax.fori_loop(0, FULL // NBUF - 1, chunk_quad, 0)
        fire(FULL - 1, NBUF - 1)
        waitb(0)
        scatb(0)
        if TAIL:
            pltpu.async_copy(
                h_hbm.at[sidx.at[pl.ds(FULL * CHUNK, TAIL)]], rowst, gsemt)
            pltpu.async_copy(
                ei_hbm.at[1, pl.ds(ebase + FULL * CHUNK, TAIL)], ridxt, rsemt)
        for k in range(1, NBUF):
            waitb(k)
            scatb(k)
        if TAIL:
            pltpu.make_async_copy(
                h_hbm.at[sidx.at[pl.ds(0, TAIL)]], rowst, gsemt).wait()
            pltpu.make_async_copy(
                ei_hbm.at[1, pl.ds(0, TAIL)], ridxt, rsemt).wait()
            pltpu.sync_copy(rowst, agg.at[ridxt], add=True)
        plsc.subcore_barrier()

        pltpu.sync_copy(
            agg.at[pl.ds(s * ROWS_PER_TILE, ROWS_PER_TILE)],
            out_hbm.at[c, pl.ds(s * ROWS_PER_TILE, ROWS_PER_TILE)])

        @pl.when(s == NS - 1)
        def _copy_tail():
            pltpu.sync_copy(
                agg.at[pl.ds(NS * ROWS_PER_TILE, ROWS_TAIL)],
                out_hbm.at[c, pl.ds(NS * ROWS_PER_TILE, ROWS_TAIL)])

    return agg_kernel(h, ei)


def _mlp_kernel(h_ref, a_ref, w1_ref, b1_ref, w2_ref, b2_ref, o_ref):
    x = h_ref[...] + a_ref[0] + a_ref[1]
    z = lax.dot_general(
        x, w1_ref[...], dimension_numbers=(((1,), (1,)), ((), ())),
        preferred_element_type=jnp.float32,
        precision=lax.Precision.HIGHEST) + b1_ref[...]
    z = jnp.maximum(z, 0.0)
    z = lax.dot_general(
        z, w2_ref[...], dimension_numbers=(((1,), (1,)), ((), ())),
        preferred_element_type=jnp.float32,
        precision=lax.Precision.HIGHEST) + b2_ref[...]
    o_ref[...] = z


def kernel(h, edge_index, W1, b1, W2, b2):
    ei = edge_index.astype(jnp.int32)
    agg = _sc_aggregate(h, ei)
    grid = N_NODES // MLP_BLOCK
    out = pl.pallas_call(
        _mlp_kernel,
        grid=(grid,),
        in_specs=[
            pl.BlockSpec((MLP_BLOCK, D), lambda i: (i, 0)),
            pl.BlockSpec((NC, MLP_BLOCK, D), lambda i: (0, i, 0)),
            pl.BlockSpec((D, D), lambda i: (0, 0)),
            pl.BlockSpec((1, D), lambda i: (0, 0)),
            pl.BlockSpec((D, D), lambda i: (0, 0)),
            pl.BlockSpec((1, D), lambda i: (0, 0)),
        ],
        out_specs=pl.BlockSpec((MLP_BLOCK, D), lambda i: (i, 0)),
        out_shape=jax.ShapeDtypeStruct((N_NODES, D), jnp.float32),
    )(h, agg, W1, b1.reshape(1, D), W2, b2.reshape(1, D))
    return out

# --- scband reference (transcript-rebuilt; emitter-appended) ---
"""Pipeline reference for scband-ginlayer-44882408243752 (READ-ONLY COPY).

The authoritative reference and input builder live on the scoring server;
editing this copy changes nothing except your own understanding.
"""

import jax, jax.numpy as jnp
import numpy as np

N_NODES = 10000
N_EDGES = 320000
D = 128


def setup_inputs(seed: int = 0) -> dict:
    key = jax.random.key(seed)
    k_h, k_e, k_w1, k_b1, k_w2, k_b2 = jax.random.split(key, 6)
    h = jax.random.normal(k_h, (N_NODES, D), dtype=jnp.float32)
    edge_index = jax.random.randint(k_e, (2, N_EDGES), 0, N_NODES, dtype=jnp.int64)
    # nn.Linear(num_hidden, num_hidden) params: weight [out, in], bias [out]
    lim = 1.0 / np.sqrt(D)
    W1 = jax.random.uniform(k_w1, (D, D), dtype=jnp.float32, minval=-lim, maxval=lim)
    b1 = jax.random.uniform(k_b1, (D,), dtype=jnp.float32, minval=-lim, maxval=lim)
    W2 = jax.random.uniform(k_w2, (D, D), dtype=jnp.float32, minval=-lim, maxval=lim)
    b2 = jax.random.uniform(k_b2, (D,), dtype=jnp.float32, minval=-lim, maxval=lim)
    return {"h": h, "edge_index": edge_index, "W1": W1, "b1": b1, "W2": W2, "b2": b2}


def reference(h, edge_index, W1, b1, W2, b2):
    send = edge_index[0]
    rec = edge_index[1]
    # gather messages from source nodes
    h_messages = jnp.take(h, send, axis=0)
    # scatter-add aggregation to destination nodes
    h_messages_agg = jnp.zeros((h.shape[0], h.shape[1]), dtype=h.dtype).at[rec].add(h_messages)
    # GIN-0 update MLP: Linear -> ReLU -> Linear
    z = h + h_messages_agg
    z = z @ W1.T + b1
    z = jax.nn.relu(z)
    z = z @ W2.T + b2
    return z

if __name__ == "__main__":
    import jax
    _d = setup_inputs()
    print(jax.jit(kernel)(*tuple(_d.values())))

</pallas_src>

<mosaic_0001>
#map = affine_map<(d0, d1) -> (0, 0)>
#map1 = affine_map<(d0, d1) -> (0, 0, 0)>
module attributes {stable_mosaic.version = 14 : i64} {
  func.func @agg_kernel(%arg0: i32, %arg1: i32, %arg2: memref<10000x128xf32, #tpu.memory_space<hbm>>, %arg3: memref<2x320000xi32, #tpu.memory_space<hbm>>, %arg4: memref<2x10000x128xf32, #tpu.memory_space<hbm>>, %arg5: memref<10000xi32, #tpu.memory_space<vmem>>, %arg6: memref<64xi32, #tpu.memory_space<vmem>>, %arg7: memref<64xi32, #tpu.memory_space<vmem>>, %arg8: memref<64xi32, #tpu.memory_space<vmem>>, %arg9: memref<64xi32, #tpu.memory_space<vmem>>, %arg10: memref<64x128xf32, #tpu.memory_space<vmem>>, %arg11: memref<64x128xf32, #tpu.memory_space<vmem>>, %arg12: memref<64x128xf32, #tpu.memory_space<vmem>>, %arg13: memref<64x128xf32, #tpu.memory_space<vmem>>, %arg14: memref<10000x128xf32, #tpu.memory_space<vmem_shared>>, %arg15: memref<!tpu.dma_semaphore, #tpu.memory_space<semaphore_mem>>, %arg16: memref<!tpu.dma_semaphore, #tpu.memory_space<semaphore_mem>>, %arg17: memref<!tpu.dma_semaphore, #tpu.memory_space<semaphore_mem>>, %arg18: memref<!tpu.dma_semaphore, #tpu.memory_space<semaphore_mem>>, %arg19: memref<!tpu.dma_semaphore, #tpu.memory_space<semaphore_mem>>, %arg20: memref<!tpu.dma_semaphore, #tpu.memory_space<semaphore_mem>>, %arg21: memref<!tpu.dma_semaphore, #tpu.memory_space<semaphore_mem>>, %arg22: memref<!tpu.dma_semaphore, #tpu.memory_space<semaphore_mem>>, %arg23: memref<16xi32, #tpu.memory_space<vmem>>, %arg24: memref<16x128xf32, #tpu.memory_space<vmem>>, %arg25: memref<!tpu.dma_semaphore, #tpu.memory_space<semaphore_mem>>, %arg26: memref<!tpu.dma_semaphore, #tpu.memory_space<semaphore_mem>>) attributes {dimension_semantics = [#tpu.dimension_semantics<core_parallel>, #tpu.dimension_semantics<subcore_parallel>], iteration_bounds = array<i64: 2, 16>, scalar_prefetch = 0 : i64, scratch_operands = 22 : i64, tpu.core_type = #tpu.core_type<sc_vector_subcore>, window_params = [{transform_indices = #map}, {transform_indices = #map}, {transform_indices = #map1}]} {
    %mul3A = arith.constant 16 : i32
    %mul3A_0 = arith.muli %arg0, %mul3A : i32
    %add3A = arith.addi %mul3A_0, %arg1 : i32
    %mul3A_1 = arith.constant 10000 : i32
    %mul3A_2 = arith.muli %add3A, %mul3A_1 : i32
    %run_scoped3A = arith.constant 0 : i32
    "tpu.region"() ({
      %run_scoped3A_186 = tpu.sem_alloc : memref<!tpu.dma_semaphore, #tpu.memory_space<semaphore_mem>>
      %dma_start3A_187 = tpu.memref_slice %arg3[%run_scoped3A, %mul3A_2] : memref<2x320000xi32, #tpu.memory_space<hbm>> -> memref<1x10000xi32, #tpu.memory_space<hbm>>
      %dma_start3A_188 = tpu.memref_squeeze %dma_start3A_187 : memref<1x10000xi32, #tpu.memory_space<hbm>> -> memref<10000xi32, #tpu.memory_space<hbm>>
      %dma_start3A_189 = tpu.memref_slice %arg3[%run_scoped3A, %mul3A_2] : memref<2x320000xi32, #tpu.memory_space<hbm>> -> memref<1x10000xi32, #tpu.memory_space<hbm>>
      %dma_start3A_190 = tpu.memref_squeeze %dma_start3A_189 : memref<1x10000xi32, #tpu.memory_space<hbm>> -> memref<10000xi32, #tpu.memory_space<hbm>>
      tpu.enqueue_dma source(%dma_start3A_190 : memref<10000xi32, #tpu.memory_space<hbm>>) target(%arg5 : memref<10000xi32, #tpu.memory_space<vmem>>) target_semaphore(%run_scoped3A_186 : memref<!tpu.dma_semaphore, #tpu.memory_space<semaphore_mem>>)
      %dma_wait3A_191 = tpu.memref_slice %arg3[%run_scoped3A, %mul3A_2] : memref<2x320000xi32, #tpu.memory_space<hbm>> -> memref<1x10000xi32, #tpu.memory_space<hbm>>
      %dma_wait3A_192 = tpu.memref_squeeze %dma_wait3A_191 : memref<1x10000xi32, #tpu.memory_space<hbm>> -> memref<10000xi32, #tpu.memory_space<hbm>>
      %dma_wait3A_193 = tpu.memref_slice %arg3[%run_scoped3A, %mul3A_2] : memref<2x320000xi32, #tpu.memory_space<hbm>> -> memref<1x10000xi32, #tpu.memory_space<hbm>>
      %dma_wait3A_194 = tpu.memref_squeeze %dma_wait3A_193 : memref<1x10000xi32, #tpu.memory_space<hbm>> -> memref<10000xi32, #tpu.memory_space<hbm>>
      tpu.wait_dma2 semaphore(%run_scoped3A_186 : memref<!tpu.dma_semaphore, #tpu.memory_space<semaphore_mem>>) src(%dma_wait3A_194 : memref<10000xi32, #tpu.memory_space<hbm>>) dst(%arg5 : memref<10000xi32, #tpu.memory_space<vmem>>)
      tpu.yield
    }) : () -> ()
    %broadcast_in_dim3A = arith.constant 0.000000e+00 : f32
    %broadcast_in_dim3A_3 = vector.broadcast %broadcast_in_dim3A : f32 to vector<16xf32>
    %scan3A = arith.constant 0 : i32
    %scan3A_4 = arith.constant 0 : i32
    %scan3A_5 = arith.constant 64 : i32
    %scan3A_6 = arith.addi %scan3A_4, %scan3A_5 : i32
    %scan3A_7 = arith.constant 1 : i32
    scf.for %scan3A_186 = %scan3A_4 to %scan3A_6 step %scan3A_7  : i32 {
      %swap3A = arith.index_cast %scan3A_186 : i32 to index
      %swap3A_187 = arith.constant 0 : index
      %swap3A_188 = tpu.vector_load %arg10[%swap3A, %swap3A_187] {strides = array<i32>} : memref<64x128xf32, #tpu.memory_space<vmem>>, vector<1x16xf32>,
      %swap3A_189 = vector.shape_cast %swap3A_188 : vector<1x16xf32> to vector<16xf32>
      %swap3A_190 = vector.shape_cast %broadcast_in_dim3A_3 : vector<16xf32> to vector<1x16xf32>
      tpu.vector_store %arg10[%swap3A, %swap3A_187], %swap3A_190 {strides = array<i32>} : memref<64x128xf32, #tpu.memory_space<vmem>>, vector<1x16xf32>,
      %swap3A_191 = arith.index_cast %scan3A_186 : i32 to index
      %swap3A_192 = arith.constant 16 : index
      %swap3A_193 = tpu.vector_load %arg10[%swap3A_191, %swap3A_192] {strides = array<i32>} : memref<64x128xf32, #tpu.memory_space<vmem>>, vector<1x16xf32>,
      %swap3A_194 = vector.shape_cast %swap3A_193 : vector<1x16xf32> to vector<16xf32>
      %swap3A_195 = vector.shape_cast %broadcast_in_dim3A_3 : vector<16xf32> to vector<1x16xf32>
      tpu.vector_store %arg10[%swap3A_191, %swap3A_192], %swap3A_195 {strides = array<i32>} : memref<64x128xf32, #tpu.memory_space<vmem>>, vector<1x16xf32>,
      %swap3A_196 = arith.index_cast %scan3A_186 : i32 to index
      %swap3A_197 = arith.constant 32 : index
      %swap3A_198 = tpu.vector_load %arg10[%swap3A_196, %swap3A_197] {strides = array<i32>} : memref<64x128xf32, #tpu.memory_space<vmem>>, vector<1x16xf32>,
      %swap3A_199 = vector.shape_cast %swap3A_198 : vector<1x16xf32> to vector<16xf32>
      %swap3A_200 = vector.shape_cast %broadcast_in_dim3A_3 : vector<16xf32> to vector<1x16xf32>
      tpu.vector_store %arg10[%swap3A_196, %swap3A_197], %swap3A_200 {strides = array<i32>} : memref<64x128xf32, #tpu.memory_space<vmem>>, vector<1x16xf32>,
      %swap3A_201 = arith.index_cast %scan3A_186 : i32 to index
      %swap3A_202 = arith.constant 48 : index
      %swap3A_203 = tpu.vector_load %arg10[%swap3A_201, %swap3A_202] {strides = array<i32>} : memref<64x128xf32, #tpu.memory_space<vmem>>, vector<1x16xf32>,
      %swap3A_204 = vector.shape_cast %swap3A_203 : vector<1x16xf32> to vector<16xf32>
      %swap3A_205 = vector.shape_cast %broadcast_in_dim3A_3 : vector<16xf32> to vector<1x16xf32>
      tpu.vector_store %arg10[%swap3A_201, %swap3A_202], %swap3A_205 {strides = array<i32>} : memref<64x128xf32, #tpu.memory_space<vmem>>, vector<1x16xf32>,
      %swap3A_206 = arith.index_cast %scan3A_186 : i32 to index
      %swap3A_207 = arith.constant 64 : index
      %swap3A_208 = tpu.vector_load %arg10[%swap3A_206, %swap3A_207] {strides = array<i32>} : memref<64x128xf32, #tpu.memory_space<vmem>>, vector<1x16xf32>,
      %swap3A_209 = vector.shape_cast %swap3A_208 : vector<1x16xf32> to vector<16xf32>
      %swap3A_210 = vector.shape_cast %broadcast_in_dim3A_3 : vector<16xf32> to vector<1x16xf32>
      tpu.vector_store %arg10[%swap3A_206, %swap3A_207], %swap3A_210 {strides = array<i32>} : memref<64x128xf32, #tpu.memory_space<vmem>>, vector<1x16xf32>,
      %swap3A_211 = arith.index_cast %scan3A_186 : i32 to index
      %swap3A_212 = arith.constant 80 : index
      %swap3A_213 = tpu.vector_load %arg10[%swap3A_211, %swap3A_212] {strides = array<i32>} : memref<64x128xf32, #tpu.memory_space<vmem>>, vector<1x16xf32>,
      %swap3A_214 = vector.shape_cast %swap3A_213 : vector<1x16xf32> to vector<16xf32>
      %swap3A_215 = vector.shape_cast %broadcast_in_dim3A_3 : vector<16xf32> to vector<1x16xf32>
      tpu.vector_store %arg10[%swap3A_211, %swap3A_212], %swap3A_215 {strides = array<i32>} : memref<64x128xf32, #tpu.memory_space<vmem>>, vector<1x16xf32>,
      %swap3A_216 = arith.index_cast %scan3A_186 : i32 to index
      %swap3A_217 = arith.constant 96 : index
      %swap3A_218 = tpu.vector_load %arg10[%swap3A_216, %swap3A_217] {strides = array<i32>} : memref<64x128xf32, #tpu.memory_space<vmem>>, vector<1x16xf32>,
      %swap3A_219 = vector.shape_cast %swap3A_218 : vector<1x16xf32> to vector<16xf32>
      %swap3A_220 = vector.shape_cast %broadcast_in_dim3A_3 : vector<16xf32> to vector<1x16xf32>
      tpu.vector_store %arg10[%swap3A_216, %swap3A_217], %swap3A_220 {strides = array<i32>} : memref<64x128xf32, #tpu.memory_space<vmem>>, vector<1x16xf32>,
      %swap3A_221 = arith.index_cast %scan3A_186 : i32 to index
      %swap3A_222 = arith.constant 112 : index
      %swap3A_223 = tpu.vector_load %arg10[%swap3A_221, %swap3A_222] {strides = array<i32>} : memref<64x128xf32, #tpu.memory_space<vmem>>, vector<1x16xf32>,
      %swap3A_224 = vector.shape_cast %swap3A_223 : vector<1x16xf32> to vector<16xf32>
      %swap3A_225 = vector.shape_cast %broadcast_in_dim3A_3 : vector<16xf32> to vector<1x16xf32>
      tpu.vector_store %arg10[%swap3A_221, %swap3A_222], %swap3A_225 {strides = array<i32>} : memref<64x128xf32, #tpu.memory_space<vmem>>, vector<1x16xf32>,
    }
    %scan3A_8 = arith.constant 64 : i32
    %mul3A_9 = arith.constant 624 : i32
    %mul3A_10 = arith.muli %arg1, %mul3A_9 : i32
    %add3A_11 = arith.constant 0 : i32
    %add3A_12 = arith.addi %mul3A_10, %add3A_11 : i32
    "tpu.region"() ({
      %run_scoped3A_186 = tpu.sem_alloc : memref<!tpu.dma_semaphore, #tpu.memory_space<semaphore_mem>>
      %dma_start3A_187 = arith.constant 0 : i32
      %dma_start3A_188 = tpu.memref_slice %arg14[%add3A_12, %dma_start3A_187] : memref<10000x128xf32, #tpu.memory_space<vmem_shared>> -> memref<64x128xf32, #tpu.memory_space<vmem_shared>>
      %dma_start3A_189 = arith.constant 0 : i32
      %dma_start3A_190 = tpu.memref_slice %arg14[%add3A_12, %dma_start3A_189] : memref<10000x128xf32, #tpu.memory_space<vmem_shared>> -> memref<64x128xf32, #tpu.memory_space<vmem_shared>>
      tpu.enqueue_dma source(%arg10 : memref<64x128xf32, #tpu.memory_space<vmem>>) target(%dma_start3A_190 : memref<64x128xf32, #tpu.memory_space<vmem_shared>>) target_semaphore(%run_scoped3A_186 : memref<!tpu.dma_semaphore, #tpu.memory_space<semaphore_mem>>)
      %dma_wait3A_191 = arith.constant 0 : i32
      %dma_wait3A_192 = tpu.memref_slice %arg14[%add3A_12, %dma_wait3A_191] : memref<10000x128xf32, #tpu.memory_space<vmem_shared>> -> memref<64x128xf32, #tpu.memory_space<vmem_shared>>
      %dma_wait3A_193 = arith.constant 0 : i32
      %dma_wait3A_194 = tpu.memref_slice %arg14[%add3A_12, %dma_wait3A_193] : memref<10000x128xf32, #tpu.memory_space<vmem_shared>> -> memref<64x128xf32, #tpu.memory_space<vmem_shared>>
      tpu.wait_dma2 semaphore(%run_scoped3A_186 : memref<!tpu.dma_semaphore, #tpu.memory_space<semaphore_mem>>) src(%arg10 : memref<64x128xf32, #tpu.memory_space<vmem>>) dst(%dma_wait3A_194 : memref<64x128xf32, #tpu.memory_space<vmem_shared>>)
      tpu.yield
    }) : () -> ()
    %mul3A_13 = arith.constant 624 : i32
    %mul3A_14 = arith.muli %arg1, %mul3A_13 : i32
    %add3A_15 = arith.constant 64 : i32
    %add3A_16 = arith.addi %mul3A_14, %add3A_15 : i32
    "tpu.region"() ({
      %run_scoped3A_186 = tpu.sem_alloc : memref<!tpu.dma_semaphore, #tpu.memory_space<semaphore_mem>>
      %dma_start3A_187 = arith.constant 0 : i32
      %dma_start3A_188 = tpu.memref_slice %arg14[%add3A_16, %dma_start3A_187] : memref<10000x128xf32, #tpu.memory_space<vmem_shared>> -> memref<64x128xf32, #tpu.memory_space<vmem_shared>>
      %dma_start3A_189 = arith.constant 0 : i32
      %dma_start3A_190 = tpu.memref_slice %arg14[%add3A_16, %dma_start3A_189] : memref<10000x128xf32, #tpu.memory_space<vmem_shared>> -> memref<64x128xf32, #tpu.memory_space<vmem_shared>>
      tpu.enqueue_dma source(%arg10 : memref<64x128xf32, #tpu.memory_space<vmem>>) target(%dma_start3A_190 : memref<64x128xf32, #tpu.memory_space<vmem_shared>>) target_semaphore(%run_scoped3A_186 : memref<!tpu.dma_semaphore, #tpu.memory_space<semaphore_mem>>)
      %dma_wait3A_191 = arith.constant 0 : i32
      %dma_wait3A_192 = tpu.memref_slice %arg14[%add3A_16, %dma_wait3A_191] : memref<10000x128xf32, #tpu.memory_space<vmem_shared>> -> memref<64x128xf32, #tpu.memory_space<vmem_shared>>
      %dma_wait3A_193 = arith.constant 0 : i32
      %dma_wait3A_194 = tpu.memref_slice %arg14[%add3A_16, %dma_wait3A_193] : memref<10000x128xf32, #tpu.memory_space<vmem_shared>> -> memref<64x128xf32, #tpu.memory_space<vmem_shared>>
      tpu.wait_dma2 semaphore(%run_scoped3A_186 : memref<!tpu.dma_semaphore, #tpu.memory_space<semaphore_mem>>) src(%arg10 : memref<64x128xf32, #tpu.memory_space<vmem>>) dst(%dma_wait3A_194 : memref<64x128xf32, #tpu.memory_space<vmem_shared>>)
      tpu.yield
    }) : () -> ()
    %mul3A_17 = arith.constant 624 : i32
    %mul3A_18 = arith.muli %arg1, %mul3A_17 : i32
    %add3A_19 = arith.constant 128 : i32
    %add3A_20 = arith.addi %mul3A_18, %add3A_19 : i32
    "tpu.region"() ({
      %run_scoped3A_186 = tpu.sem_alloc : memref<!tpu.dma_semaphore, #tpu.memory_space<semaphore_mem>>
      %dma_start3A_187 = arith.constant 0 : i32
      %dma_start3A_188 = tpu.memref_slice %arg14[%add3A_20, %dma_start3A_187] : memref<10000x128xf32, #tpu.memory_space<vmem_shared>> -> memref<64x128xf32, #tpu.memory_space<vmem_shared>>
      %dma_start3A_189 = arith.constant 0 : i32
      %dma_start3A_190 = tpu.memref_slice %arg14[%add3A_20, %dma_start3A_189] : memref<10000x128xf32, #tpu.memory_space<vmem_shared>> -> memref<64x128xf32, #tpu.memory_space<vmem_shared>>
      tpu.enqueue_dma source(%arg10 : memref<64x128xf32, #tpu.memory_space<vmem>>) target(%dma_start3A_190 : memref<64x128xf32, #tpu.memory_space<vmem_shared>>) target_semaphore(%run_scoped3A_186 : memref<!tpu.dma_semaphore, #tpu.memory_space<semaphore_mem>>)
      %dma_wait3A_191 = arith.constant 0 : i32
      %dma_wait3A_192 = tpu.memref_slice %arg14[%add3A_20, %dma_wait3A_191] : memref<10000x128xf32, #tpu.memory_space<vmem_shared>> -> memref<64x128xf32, #tpu.memory_space<vmem_shared>>
      %dma_wait3A_193 = arith.constant 0 : i32
      %dma_wait3A_194 = tpu.memref_slice %arg14[%add3A_20, %dma_wait3A_193] : memref<10000x128xf32, #tpu.memory_space<vmem_shared>> -> memref<64x128xf32, #tpu.memory_space<vmem_shared>>
      tpu.wait_dma2 semaphore(%run_scoped3A_186 : memref<!tpu.dma_semaphore, #tpu.memory_space<semaphore_mem>>) src(%arg10 : memref<64x128xf32, #tpu.memory_space<vmem>>) dst(%dma_wait3A_194 : memref<64x128xf32, #tpu.memory_space<vmem_shared>>)
      tpu.yield
    }) : () -> ()
    %mul3A_21 = arith.constant 624 : i32
    %mul3A_22 = arith.muli %arg1, %mul3A_21 : i32
    %add3A_23 = arith.constant 192 : i32
    %add3A_24 = arith.addi %mul3A_22, %add3A_23 : i32
    "tpu.region"() ({
      %run_scoped3A_186 = tpu.sem_alloc : memref<!tpu.dma_semaphore, #tpu.memory_space<semaphore_mem>>
      %dma_start3A_187 = arith.constant 0 : i32
      %dma_start3A_188 = tpu.memref_slice %arg14[%add3A_24, %dma_start3A_187] : memref<10000x128xf32, #tpu.memory_space<vmem_shared>> -> memref<64x128xf32, #tpu.memory_space<vmem_shared>>
      %dma_start3A_189 = arith.constant 0 : i32
      %dma_start3A_190 = tpu.memref_slice %arg14[%add3A_24, %dma_start3A_189] : memref<10000x128xf32, #tpu.memory_space<vmem_shared>> -> memref<64x128xf32, #tpu.memory_space<vmem_shared>>
      tpu.enqueue_dma source(%arg10 : memref<64x128xf32, #tpu.memory_space<vmem>>) target(%dma_start3A_190 : memref<64x128xf32, #tpu.memory_space<vmem_shared>>) target_semaphore(%run_scoped3A_186 : memref<!tpu.dma_semaphore, #tpu.memory_space<semaphore_mem>>)
      %dma_wait3A_191 = arith.constant 0 : i32
      %dma_wait3A_192 = tpu.memref_slice %arg14[%add3A_24, %dma_wait3A_191] : memref<10000x128xf32, #tpu.memory_space<vmem_shared>> -> memref<64x128xf32, #tpu.memory_space<vmem_shared>>
      %dma_wait3A_193 = arith.constant 0 : i32
      %dma_wait3A_194 = tpu.memref_slice %arg14[%add3A_24, %dma_wait3A_193] : memref<10000x128xf32, #tpu.memory_space<vmem_shared>> -> memref<64x128xf32, #tpu.memory_space<vmem_shared>>
      tpu.wait_dma2 semaphore(%run_scoped3A_186 : memref<!tpu.dma_semaphore, #tpu.memory_space<semaphore_mem>>) src(%arg10 : memref<64x128xf32, #tpu.memory_space<vmem>>) dst(%dma_wait3A_194 : memref<64x128xf32, #tpu.memory_space<vmem_shared>>)
      tpu.yield
    }) : () -> ()
    %mul3A_25 = arith.constant 624 : i32
    %mul3A_26 = arith.muli %arg1, %mul3A_25 : i32
    %add3A_27 = arith.constant 256 : i32
    %add3A_28 = arith.addi %mul3A_26, %add3A_27 : i32
    "tpu.region"() ({
      %run_scoped3A_186 = tpu.sem_alloc : memref<!tpu.dma_semaphore, #tpu.memory_space<semaphore_mem>>
      %dma_start3A_187 = arith.constant 0 : i32
      %dma_start3A_188 = tpu.memref_slice %arg14[%add3A_28, %dma_start3A_187] : memref<10000x128xf32, #tpu.memory_space<vmem_shared>> -> memref<64x128xf32, #tpu.memory_space<vmem_shared>>
      %dma_start3A_189 = arith.constant 0 : i32
      %dma_start3A_190 = tpu.memref_slice %arg14[%add3A_28, %dma_start3A_189] : memref<10000x128xf32, #tpu.memory_space<vmem_shared>> -> memref<64x128xf32, #tpu.memory_space<vmem_shared>>
      tpu.enqueue_dma source(%arg10 : memref<64x128xf32, #tpu.memory_space<vmem>>) target(%dma_start3A_190 : memref<64x128xf32, #tpu.memory_space<vmem_shared>>) target_semaphore(%run_scoped3A_186 : memref<!tpu.dma_semaphore, #tpu.memory_space<semaphore_mem>>)
      %dma_wait3A_191 = arith.constant 0 : i32
      %dma_wait3A_192 = tpu.memref_slice %arg14[%add3A_28, %dma_wait3A_191] : memref<10000x128xf32, #tpu.memory_space<vmem_shared>> -> memref<64x128xf32, #tpu.memory_space<vmem_shared>>
      %dma_wait3A_193 = arith.constant 0 : i32
      %dma_wait3A_194 = tpu.memref_slice %arg14[%add3A_28, %dma_wait3A_193] : memref<10000x128xf32, #tpu.memory_space<vmem_shared>> -> memref<64x128xf32, #tpu.memory_space<vmem_shared>>
      tpu.wait_dma2 semaphore(%run_scoped3A_186 : memref<!tpu.dma_semaphore, #tpu.memory_space<semaphore_mem>>) src(%arg10 : memref<64x128xf32, #tpu.memory_space<vmem>>) dst(%dma_wait3A_194 : memref<64x128xf32, #tpu.memory_space<vmem_shared>>)
      tpu.yield
    }) : () -> ()
    %mul3A_29 = arith.constant 624 : i32
    %mul3A_30 = arith.muli %arg1, %mul3A_29 : i32
    %add3A_31 = arith.constant 320 : i32
    %add3A_32 = arith.addi %mul3A_30, %add3A_31 : i32
    "tpu.region"() ({
      %run_scoped3A_186 = tpu.sem_alloc : memref<!tpu.dma_semaphore, #tpu.memory_space<semaphore_mem>>
      %dma_start3A_187 = arith.constant 0 : i32
      %dma_start3A_188 = tpu.memref_slice %arg14[%add3A_32, %dma_start3A_187] : memref<10000x128xf32, #tpu.memory_space<vmem_shared>> -> memref<64x128xf32, #tpu.memory_space<vmem_shared>>
      %dma_start3A_189 = arith.constant 0 : i32
      %dma_start3A_190 = tpu.memref_slice %arg14[%add3A_32, %dma_start3A_189] : memref<10000x128xf32, #tpu.memory_space<vmem_shared>> -> memref<64x128xf32, #tpu.memory_space<vmem_shared>>
      tpu.enqueue_dma source(%arg10 : memref<64x128xf32, #tpu.memory_space<vmem>>) target(%dma_start3A_190 : memref<64x128xf32, #tpu.memory_space<vmem_shared>>) target_semaphore(%run_scoped3A_186 : memref<!tpu.dma_semaphore, #tpu.memory_space<semaphore_mem>>)
      %dma_wait3A_191 = arith.constant 0 : i32
      %dma_wait3A_192 = tpu.memref_slice %arg14[%add3A_32, %dma_wait3A_191] : memref<10000x128xf32, #tpu.memory_space<vmem_shared>> -> memref<64x128xf32, #tpu.memory_space<vmem_shared>>
      %dma_wait3A_193 = arith.constant 0 : i32
      %dma_wait3A_194 = tpu.memref_slice %arg14[%add3A_32, %dma_wait3A_193] : memref<10000x128xf32, #tpu.memory_space<vmem_shared>> -> memref<64x128xf32, #tpu.memory_space<vmem_shared>>
      tpu.wait_dma2 semaphore(%run_scoped3A_186 : memref<!tpu.dma_semaphore, #tpu.memory_space<semaphore_mem>>) src(%arg10 : memref<64x128xf32, #tpu.memory_space<vmem>>) dst(%dma_wait3A_194 : memref<64x128xf32, #tpu.memory_space<vmem_shared>>)
      tpu.yield
    }) : () -> ()
    %mul3A_33 = arith.constant 624 : i32
    %mul3A_34 = arith.muli %arg1, %mul3A_33 : i32
    %add3A_35 = arith.constant 384 : i32
    %add3A_36 = arith.addi %mul3A_34, %add3A_35 : i32
    "tpu.region"() ({
      %run_scoped3A_186 = tpu.sem_alloc : memref<!tpu.dma_semaphore, #tpu.memory_space<semaphore_mem>>
      %dma_start3A_187 = arith.constant 0 : i32
      %dma_start3A_188 = tpu.memref_slice %arg14[%add3A_36, %dma_start3A_187] : memref<10000x128xf32, #tpu.memory_space<vmem_shared>> -> memref<64x128xf32, #tpu.memory_space<vmem_shared>>
      %dma_start3A_189 = arith.constant 0 : i32
      %dma_start3A_190 = tpu.memref_slice %arg14[%add3A_36, %dma_start3A_189] : memref<10000x128xf32, #tpu.memory_space<vmem_shared>> -> memref<64x128xf32, #tpu.memory_space<vmem_shared>>
      tpu.enqueue_dma source(%arg10 : memref<64x128xf32, #tpu.memory_space<vmem>>) target(%dma_start3A_190 : memref<64x128xf32, #tpu.memory_space<vmem_shared>>) target_semaphore(%run_scoped3A_186 : memref<!tpu.dma_semaphore, #tpu.memory_space<semaphore_mem>>)
      %dma_wait3A_191 = arith.constant 0 : i32
      %dma_wait3A_192 = tpu.memref_slice %arg14[%add3A_36, %dma_wait3A_191] : memref<10000x128xf32, #tpu.memory_space<vmem_shared>> -> memref<64x128xf32, #tpu.memory_space<vmem_shared>>
      %dma_wait3A_193 = arith.constant 0 : i32
      %dma_wait3A_194 = tpu.memref_slice %arg14[%add3A_36, %dma_wait3A_193] : memref<10000x128xf32, #tpu.memory_space<vmem_shared>> -> memref<64x128xf32, #tpu.memory_space<vmem_shared>>
      tpu.wait_dma2 semaphore(%run_scoped3A_186 : memref<!tpu.dma_semaphore, #tpu.memory_space<semaphore_mem>>) src(%arg10 : memref<64x128xf32, #tpu.memory_space<vmem>>) dst(%dma_wait3A_194 : memref<64x128xf32, #tpu.memory_space<vmem_shared>>)
      tpu.yield
    }) : () -> ()
    %mul3A_37 = arith.constant 624 : i32
    %mul3A_38 = arith.muli %arg1, %mul3A_37 : i32
    %add3A_39 = arith.constant 448 : i32
    %add3A_40 = arith.addi %mul3A_38, %add3A_39 : i32
    "tpu.region"() ({
      %run_scoped3A_186 = tpu.sem_alloc : memref<!tpu.dma_semaphore, #tpu.memory_space<semaphore_mem>>
      %dma_start3A_187 = arith.constant 0 : i32
      %dma_start3A_188 = tpu.memref_slice %arg14[%add3A_40, %dma_start3A_187] : memref<10000x128xf32, #tpu.memory_space<vmem_shared>> -> memref<64x128xf32, #tpu.memory_space<vmem_shared>>
      %dma_start3A_189 = arith.constant 0 : i32
      %dma_start3A_190 = tpu.memref_slice %arg14[%add3A_40, %dma_start3A_189] : memref<10000x128xf32, #tpu.memory_space<vmem_shared>> -> memref<64x128xf32, #tpu.memory_space<vmem_shared>>
      tpu.enqueue_dma source(%arg10 : memref<64x128xf32, #tpu.memory_space<vmem>>) target(%dma_start3A_190 : memref<64x128xf32, #tpu.memory_space<vmem_shared>>) target_semaphore(%run_scoped3A_186 : memref<!tpu.dma_semaphore, #tpu.memory_space<semaphore_mem>>)
      %dma_wait3A_191 = arith.constant 0 : i32
      %dma_wait3A_192 = tpu.memref_slice %arg14[%add3A_40, %dma_wait3A_191] : memref<10000x128xf32, #tpu.memory_space<vmem_shared>> -> memref<64x128xf32, #tpu.memory_space<vmem_shared>>
      %dma_wait3A_193 = arith.constant 0 : i32
      %dma_wait3A_194 = tpu.memref_slice %arg14[%add3A_40, %dma_wait3A_193] : memref<10000x128xf32, #tpu.memory_space<vmem_shared>> -> memref<64x128xf32, #tpu.memory_space<vmem_shared>>
      tpu.wait_dma2 semaphore(%run_scoped3A_186 : memref<!tpu.dma_semaphore, #tpu.memory_space<semaphore_mem>>) src(%arg10 : memref<64x128xf32, #tpu.memory_space<vmem>>) dst(%dma_wait3A_194 : memref<64x128xf32, #tpu.memory_space<vmem_shared>>)
      tpu.yield
    }) : () -> ()
    %mul3A_41 = arith.constant 624 : i32
    %mul3A_42 = arith.muli %arg1, %mul3A_41 : i32
    %add3A_43 = arith.constant 512 : i32
    %add3A_44 = arith.addi %mul3A_42, %add3A_43 : i32
    "tpu.region"() ({
      %run_scoped3A_186 = tpu.sem_alloc : memref<!tpu.dma_semaphore, #tpu.memory_space<semaphore_mem>>
      %dma_start3A_187 = arith.constant 0 : i32
      %dma_start3A_188 = tpu.memref_slice %arg14[%add3A_44, %dma_start3A_187] : memref<10000x128xf32, #tpu.memory_space<vmem_shared>> -> memref<64x128xf32, #tpu.memory_space<vmem_shared>>
      %dma_start3A_189 = arith.constant 0 : i32
      %dma_start3A_190 = tpu.memref_slice %arg14[%add3A_44, %dma_start3A_189] : memref<10000x128xf32, #tpu.memory_space<vmem_shared>> -> memref<64x128xf32, #tpu.memory_space<vmem_shared>>
      tpu.enqueue_dma source(%arg10 : memref<64x128xf32, #tpu.memory_space<vmem>>) target(%dma_start3A_190 : memref<64x128xf32, #tpu.memory_space<vmem_shared>>) target_semaphore(%run_scoped3A_186 : memref<!tpu.dma_semaphore, #tpu.memory_space<semaphore_mem>>)
      %dma_wait3A_191 = arith.constant 0 : i32
      %dma_wait3A_192 = tpu.memref_slice %arg14[%add3A_44, %dma_wait3A_191] : memref<10000x128xf32, #tpu.memory_space<vmem_shared>> -> memref<64x128xf32, #tpu.memory_space<vmem_shared>>
      %dma_wait3A_193 = arith.constant 0 : i32
      %dma_wait3A_194 = tpu.memref_slice %arg14[%add3A_44, %dma_wait3A_193] : memref<10000x128xf32, #tpu.memory_space<vmem_shared>> -> memref<64x128xf32, #tpu.memory_space<vmem_shared>>
      tpu.wait_dma2 semaphore(%run_scoped3A_186 : memref<!tpu.dma_semaphore, #tpu.memory_space<semaphore_mem>>) src(%arg10 : memref<64x128xf32, #tpu.memory_space<vmem>>) dst(%dma_wait3A_194 : memref<64x128xf32, #tpu.memory_space<vmem_shared>>)
      tpu.yield
    }) : () -> ()
    %mul3A_45 = arith.constant 624 : i32
    %mul3A_46 = arith.muli %arg1, %mul3A_45 : i32
    %add3A_47 = arith.constant 624 : i32
    %add3A_48 = arith.addi %mul3A_46, %add3A_47 : i32
    %sub3A = arith.constant 48 : i32
    %sub3A_49 = arith.subi %add3A_48, %sub3A : i32
    "tpu.region"() ({
      %run_scoped3A_186 = tpu.sem_alloc : memref<!tpu.dma_semaphore, #tpu.memory_space<semaphore_mem>>
      %dma_start3A_187 = arith.constant 0 : i32
      %dma_start3A_188 = arith.constant 0 : i32
      %dma_start3A_189 = tpu.memref_slice %arg10[%dma_start3A_187, %dma_start3A_188] : memref<64x128xf32, #tpu.memory_space<vmem>> -> memref<48x128xf32, #tpu.memory_space<vmem>>
      %dma_start3A_190 = arith.constant 0 : i32
      %dma_start3A_191 = tpu.memref_slice %arg14[%sub3A_49, %dma_start3A_190] : memref<10000x128xf32, #tpu.memory_space<vmem_shared>> -> memref<48x128xf32, #tpu.memory_space<vmem_shared>>
      %dma_start3A_192 = arith.constant 0 : i32
      %dma_start3A_193 = tpu.memref_slice %arg14[%sub3A_49, %dma_start3A_192] : memref<10000x128xf32, #tpu.memory_space<vmem_shared>> -> memref<48x128xf32, #tpu.memory_space<vmem_shared>>
      %dma_start3A_194 = arith.constant 0 : i32
      %dma_start3A_195 = arith.constant 0 : i32
      %dma_start3A_196 = tpu.memref_slice %arg10[%dma_start3A_194, %dma_start3A_195] : memref<64x128xf32, #tpu.memory_space<vmem>> -> memref<48x128xf32, #tpu.memory_space<vmem>>
      tpu.enqueue_dma source(%dma_start3A_196 : memref<48x128xf32, #tpu.memory_space<vmem>>) target(%dma_start3A_193 : memref<48x128xf32, #tpu.memory_space<vmem_shared>>) target_semaphore(%run_scoped3A_186 : memref<!tpu.dma_semaphore, #tpu.memory_space<semaphore_mem>>)
      %dma_wait3A_197 = arith.constant 0 : i32
      %dma_wait3A_198 = arith.constant 0 : i32
      %dma_wait3A_199 = tpu.memref_slice %arg10[%dma_wait3A_197, %dma_wait3A_198] : memref<64x128xf32, #tpu.memory_space<vmem>> -> memref<48x128xf32, #tpu.memory_space<vmem>>
      %dma_wait3A_200 = arith.constant 0 : i32
      %dma_wait3A_201 = tpu.memref_slice %arg14[%sub3A_49, %dma_wait3A_200] : memref<10000x128xf32, #tpu.memory_space<vmem_shared>> -> memref<48x128xf32, #tpu.memory_space<vmem_shared>>
      %dma_wait3A_202 = arith.constant 0 : i32
      %dma_wait3A_203 = tpu.memref_slice %arg14[%sub3A_49, %dma_wait3A_202] : memref<10000x128xf32, #tpu.memory_space<vmem_shared>> -> memref<48x128xf32, #tpu.memory_space<vmem_shared>>
      %dma_wait3A_204 = arith.constant 0 : i32
      %dma_wait3A_205 = arith.constant 0 : i32
      %dma_wait3A_206 = tpu.memref_slice %arg10[%dma_wait3A_204, %dma_wait3A_205] : memref<64x128xf32, #tpu.memory_space<vmem>> -> memref<48x128xf32, #tpu.memory_space<vmem>>
      tpu.wait_dma2 semaphore(%run_scoped3A_186 : memref<!tpu.dma_semaphore, #tpu.memory_space<semaphore_mem>>) src(%dma_wait3A_206 : memref<48x128xf32, #tpu.memory_space<vmem>>) dst(%dma_wait3A_203 : memref<48x128xf32, #tpu.memory_space<vmem_shared>>)
      tpu.yield
    }) : () -> ()
    %eq3A = arith.constant 15 : i32
    %eq3A_50 = arith.cmpi eq, %arg1, %eq3A : i32
    %convert_element_type3A = arith.extui %eq3A_50 : i1 to i32
    %cond3A = arith.constant 0 : i32
    %cond3A_51 = arith.cmpi ne, %convert_element_type3A, %cond3A : i32
    scf.if %cond3A_51 {
      "tpu.region"() ({
        %run_scoped3A_186 = tpu.sem_alloc : memref<!tpu.dma_semaphore, #tpu.memory_space<semaphore_mem>>
        %dma_start3A_187 = arith.constant 0 : i32
        %dma_start3A_188 = arith.constant 0 : i32
        %dma_start3A_189 = tpu.memref_slice %arg10[%dma_start3A_187, %dma_start3A_188] : memref<64x128xf32, #tpu.memory_space<vmem>> -> memref<16x128xf32, #tpu.memory_space<vmem>>
        %dma_start3A_190 = arith.constant 9984 : i32
        %dma_start3A_191 = arith.constant 0 : i32
        %dma_start3A_192 = tpu.memref_slice %arg14[%dma_start3A_190, %dma_start3A_191] : memref<10000x128xf32, #tpu.memory_space<vmem_shared>> -> memref<16x128xf32, #tpu.memory_space<vmem_shared>>
        %dma_start3A_193 = arith.constant 9984 : i32
        %dma_start3A_194 = arith.constant 0 : i32
        %dma_start3A_195 = tpu.memref_slice %arg14[%dma_start3A_193, %dma_start3A_194] : memref<10000x128xf32, #tpu.memory_space<vmem_shared>> -> memref<16x128xf32, #tpu.memory_space<vmem_shared>>
        %dma_start3A_196 = arith.constant 0 : i32
        %dma_start3A_197 = arith.constant 0 : i32
        %dma_start3A_198 = tpu.memref_slice %arg10[%dma_start3A_196, %dma_start3A_197] : memref<64x128xf32, #tpu.memory_space<vmem>> -> memref<16x128xf32, #tpu.memory_space<vmem>>
        tpu.enqueue_dma source(%dma_start3A_198 : memref<16x128xf32, #tpu.memory_space<vmem>>) target(%dma_start3A_195 : memref<16x128xf32, #tpu.memory_space<vmem_shared>>) target_semaphore(%run_scoped3A_186 : memref<!tpu.dma_semaphore, #tpu.memory_space<semaphore_mem>>)
        %dma_wait3A_199 = arith.constant 0 : i32
        %dma_wait3A_200 = arith.constant 0 : i32
        %dma_wait3A_201 = tpu.memref_slice %arg10[%dma_wait3A_199, %dma_wait3A_200] : memref<64x128xf32, #tpu.memory_space<vmem>> -> memref<16x128xf32, #tpu.memory_space<vmem>>
        %dma_wait3A_202 = arith.constant 9984 : i32
        %dma_wait3A_203 = arith.constant 0 : i32
        %dma_wait3A_204 = tpu.memref_slice %arg14[%dma_wait3A_202, %dma_wait3A_203] : memref<10000x128xf32, #tpu.memory_space<vmem_shared>> -> memref<16x128xf32, #tpu.memory_space<vmem_shared>>
        %dma_wait3A_205 = arith.constant 9984 : i32
        %dma_wait3A_206 = arith.constant 0 : i32
        %dma_wait3A_207 = tpu.memref_slice %arg14[%dma_wait3A_205, %dma_wait3A_206] : memref<10000x128xf32, #tpu.memory_space<vmem_shared>> -> memref<16x128xf32, #tpu.memory_space<vmem_shared>>
        %dma_wait3A_208 = arith.constant 0 : i32
        %dma_wait3A_209 = arith.constant 0 : i32
        %dma_wait3A_210 = tpu.memref_slice %arg10[%dma_wait3A_208, %dma_wait3A_209] : memref<64x128xf32, #tpu.memory_space<vmem>> -> memref<16x128xf32, #tpu.memory_space<vmem>>
        tpu.wait_dma2 semaphore(%run_scoped3A_186 : memref<!tpu.dma_semaphore, #tpu.memory_space<semaphore_mem>>) src(%dma_wait3A_210 : memref<16x128xf32, #tpu.memory_space<vmem>>) dst(%dma_wait3A_207 : memref<16x128xf32, #tpu.memory_space<vmem_shared>>)
        tpu.yield
      }) : () -> ()
    } else {
    }
    %barrier3A = arith.constant 0 : index
    tpu.barrier barrier_id(%barrier3A)
    %dma_start3A = arith.constant 0 : i32
    %dma_start3A_52 = tpu.memref_slice %arg5[%dma_start3A] : memref<10000xi32, #tpu.memory_space<vmem>> -> memref<64xi32, #tpu.memory_space<vmem>>
    %dma_start3A_53 = arith.constant 0 : i32
    %dma_start3A_54 = arith.constant 0 : i32
    %dma_start3A_55 = tpu.memref_slice %arg2[%dma_start3A_53, %dma_start3A_54] : memref<10000x128xf32, #tpu.memory_space<hbm>> -> memref<10000x128xf32, #tpu.memory_space<hbm>>
    tpu.enqueue_indirect_dma source(%dma_start3A_55 : memref<10000x128xf32, #tpu.memory_space<hbm>>) target(%arg10 : memref<64x128xf32, #tpu.memory_space<vmem>>) offsets(%dma_start3A_52 : memref<64xi32, #tpu.memory_space<vmem>>) semaphore(%arg15 : memref<!tpu.dma_semaphore, #tpu.memory_space<semaphore_mem>>)
    %add3A_56 = arith.constant 0 : i32
    %add3A_57 = arith.addi %mul3A_2, %add3A_56 : i32
    %dma_start3A_58 = arith.constant 1 : i32
    %dma_start3A_59 = tpu.memref_slice %arg3[%dma_start3A_58, %add3A_57] : memref<2x320000xi32, #tpu.memory_space<hbm>> -> memref<1x64xi32, #tpu.memory_space<hbm>>
    %dma_start3A_60 = tpu.memref_squeeze %dma_start3A_59 : memref<1x64xi32, #tpu.memory_space<hbm>> -> memref<64xi32, #tpu.memory_space<hbm>>
    %dma_start3A_61 = tpu.memref_slice %arg3[%dma_start3A_58, %add3A_57] : memref<2x320000xi32, #tpu.memory_space<hbm>> -> memref<1x64xi32, #tpu.memory_space<hbm>>
    %dma_start3A_62 = tpu.memref_squeeze %dma_start3A_61 : memref<1x64xi32, #tpu.memory_space<hbm>> -> memref<64xi32, #tpu.memory_space<hbm>>
    tpu.enqueue_dma source(%dma_start3A_62 : memref<64xi32, #tpu.memory_space<hbm>>) target(%arg6 : memref<64xi32, #tpu.memory_space<vmem>>) target_semaphore(%arg19 : memref<!tpu.dma_semaphore, #tpu.memory_space<semaphore_mem>>)
    %dma_start3A_63 = arith.constant 64 : i32
    %dma_start3A_64 = tpu.memref_slice %arg5[%dma_start3A_63] : memref<10000xi32, #tpu.memory_space<vmem>> -> memref<64xi32, #tpu.memory_space<vmem>>
    %dma_start3A_65 = arith.constant 0 : i32
    %dma_start3A_66 = arith.constant 0 : i32
    %dma_start3A_67 = tpu.memref_slice %arg2[%dma_start3A_65, %dma_start3A_66] : memref<10000x128xf32, #tpu.memory_space<hbm>> -> memref<10000x128xf32, #tpu.memory_space<hbm>>
    tpu.enqueue_indirect_dma source(%dma_start3A_67 : memref<10000x128xf32, #tpu.memory_space<hbm>>) target(%arg11 : memref<64x128xf32, #tpu.memory_space<vmem>>) offsets(%dma_start3A_64 : memref<64xi32, #tpu.memory_space<vmem>>) semaphore(%arg16 : memref<!tpu.dma_semaphore, #tpu.memory_space<semaphore_mem>>)
    %add3A_68 = arith.constant 64 : i32
    %add3A_69 = arith.addi %mul3A_2, %add3A_68 : i32
    %dma_start3A_70 = arith.constant 1 : i32
    %dma_start3A_71 = tpu.memref_slice %arg3[%dma_start3A_70, %add3A_69] : memref<2x320000xi32, #tpu.memory_space<hbm>> -> memref<1x64xi32, #tpu.memory_space<hbm>>
    %dma_start3A_72 = tpu.memref_squeeze %dma_start3A_71 : memref<1x64xi32, #tpu.memory_space<hbm>> -> memref<64xi32, #tpu.memory_space<hbm>>
    %dma_start3A_73 = tpu.memref_slice %arg3[%dma_start3A_70, %add3A_69] : memref<2x320000xi32, #tpu.memory_space<hbm>> -> memref<1x64xi32, #tpu.memory_space<hbm>>
    %dma_start3A_74 = tpu.memref_squeeze %dma_start3A_73 : memref<1x64xi32, #tpu.memory_space<hbm>> -> memref<64xi32, #tpu.memory_space<hbm>>
    tpu.enqueue_dma source(%dma_start3A_74 : memref<64xi32, #tpu.memory_space<hbm>>) target(%arg7 : memref<64xi32, #tpu.memory_space<vmem>>) target_semaphore(%arg20 : memref<!tpu.dma_semaphore, #tpu.memory_space<semaphore_mem>>)
    %dma_start3A_75 = arith.constant 128 : i32
    %dma_start3A_76 = tpu.memref_slice %arg5[%dma_start3A_75] : memref<10000xi32, #tpu.memory_space<vmem>> -> memref<64xi32, #tpu.memory_space<vmem>>
    %dma_start3A_77 = arith.constant 0 : i32
    %dma_start3A_78 = arith.constant 0 : i32
    %dma_start3A_79 = tpu.memref_slice %arg2[%dma_start3A_77, %dma_start3A_78] : memref<10000x128xf32, #tpu.memory_space<hbm>> -> memref<10000x128xf32, #tpu.memory_space<hbm>>
    tpu.enqueue_indirect_dma source(%dma_start3A_79 : memref<10000x128xf32, #tpu.memory_space<hbm>>) target(%arg12 : memref<64x128xf32, #tpu.memory_space<vmem>>) offsets(%dma_start3A_76 : memref<64xi32, #tpu.memory_space<vmem>>) semaphore(%arg17 : memref<!tpu.dma_semaphore, #tpu.memory_space<semaphore_mem>>)
    %add3A_80 = arith.constant 128 : i32
    %add3A_81 = arith.addi %mul3A_2, %add3A_80 : i32
    %dma_start3A_82 = arith.constant 1 : i32
    %dma_start3A_83 = tpu.memref_slice %arg3[%dma_start3A_82, %add3A_81] : memref<2x320000xi32, #tpu.memory_space<hbm>> -> memref<1x64xi32, #tpu.memory_space<hbm>>
    %dma_start3A_84 = tpu.memref_squeeze %dma_start3A_83 : memref<1x64xi32, #tpu.memory_space<hbm>> -> memref<64xi32, #tpu.memory_space<hbm>>
    %dma_start3A_85 = tpu.memref_slice %arg3[%dma_start3A_82, %add3A_81] : memref<2x320000xi32, #tpu.memory_space<hbm>> -> memref<1x64xi32, #tpu.memory_space<hbm>>
    %dma_start3A_86 = tpu.memref_squeeze %dma_start3A_85 : memref<1x64xi32, #tpu.memory_space<hbm>> -> memref<64xi32, #tpu.memory_space<hbm>>
    tpu.enqueue_dma source(%dma_start3A_86 : memref<64xi32, #tpu.memory_space<hbm>>) target(%arg8 : memref<64xi32, #tpu.memory_space<vmem>>) target_semaphore(%arg21 : memref<!tpu.dma_semaphore, #tpu.memory_space<semaphore_mem>>)
    %scan3A_87 = arith.constant 0 : i32
    %scan3A_88 = arith.constant 0 : i32
    %scan3A_89 = arith.constant 38 : i32
    %scan3A_90 = arith.addi %scan3A_88, %scan3A_89 : i32
    %scan3A_91 = arith.constant 1 : i32
    scf.for %scan3A_186 = %scan3A_88 to %scan3A_90 step %scan3A_91  : i32 {
      %mul3A_187 = arith.constant 4 : i32
      %mul3A_188 = arith.muli %mul3A_187, %scan3A_186 : i32
      %add3A_189 = arith.constant 4 : i32
      %add3A_190 = arith.addi %mul3A_188, %add3A_189 : i32
      %sub3A_191 = arith.constant 1 : i32
      %sub3A_192 = arith.subi %add3A_190, %sub3A_191 : i32
      %add3A_193 = arith.constant 0 : i32
      %add3A_194 = arith.addi %sub3A_192, %add3A_193 : i32
      %mul3A_195 = arith.constant 64 : i32
      %mul3A_196 = arith.muli %add3A_194, %mul3A_195 : i32
      %dma_start3A_197 = tpu.memref_slice %arg5[%mul3A_196] : memref<10000xi32, #tpu.memory_space<vmem>> -> memref<64xi32, #tpu.memory_space<vmem>>
      %dma_start3A_198 = arith.constant 0 : i32
      %dma_start3A_199 = arith.constant 0 : i32
      %dma_start3A_200 = tpu.memref_slice %arg2[%dma_start3A_198, %dma_start3A_199] : memref<10000x128xf32, #tpu.memory_space<hbm>> -> memref<10000x128xf32, #tpu.memory_space<hbm>>
      tpu.enqueue_indirect_dma source(%dma_start3A_200 : memref<10000x128xf32, #tpu.memory_space<hbm>>) target(%arg13 : memref<64x128xf32, #tpu.memory_space<vmem>>) offsets(%dma_start3A_197 : memref<64xi32, #tpu.memory_space<vmem>>) semaphore(%arg18 : memref<!tpu.dma_semaphore, #tpu.memory_space<semaphore_mem>>)
      %mul3A_201 = arith.constant 64 : i32
      %mul3A_202 = arith.muli %add3A_194, %mul3A_201 : i32
      %add3A_203 = arith.addi %mul3A_2, %mul3A_202 : i32
      %dma_start3A_204 = arith.constant 1 : i32
      %dma_start3A_205 = tpu.memref_slice %arg3[%dma_start3A_204, %add3A_203] : memref<2x320000xi32, #tpu.memory_space<hbm>> -> memref<1x64xi32, #tpu.memory_space<hbm>>
      %dma_start3A_206 = tpu.memref_squeeze %dma_start3A_205 : memref<1x64xi32, #tpu.memory_space<hbm>> -> memref<64xi32, #tpu.memory_space<hbm>>
      %dma_start3A_207 = tpu.memref_slice %arg3[%dma_start3A_204, %add3A_203] : memref<2x320000xi32, #tpu.memory_space<hbm>> -> memref<1x64xi32, #tpu.memory_space<hbm>>
      %dma_start3A_208 = tpu.memref_squeeze %dma_start3A_207 : memref<1x64xi32, #tpu.memory_space<hbm>> -> memref<64xi32, #tpu.memory_space<hbm>>
      tpu.enqueue_dma source(%dma_start3A_208 : memref<64xi32, #tpu.memory_space<hbm>>) target(%arg9 : memref<64xi32, #tpu.memory_space<vmem>>) target_semaphore(%arg22 : memref<!tpu.dma_semaphore, #tpu.memory_space<semaphore_mem>>)
      %dma_wait3A_209 = arith.constant 0 : i32
      %dma_wait3A_210 = tpu.memref_slice %arg5[%dma_wait3A_209] : memref<10000xi32, #tpu.memory_space<vmem>> -> memref<64xi32, #tpu.memory_space<vmem>>
      %dma_wait3A_211 = arith.constant 0 : i32
      %dma_wait3A_212 = arith.constant 0 : i32
      %dma_wait3A_213 = tpu.memref_slice %arg2[%dma_wait3A_211, %dma_wait3A_212] : memref<10000x128xf32, #tpu.memory_space<hbm>> -> memref<10000x128xf32, #tpu.memory_space<hbm>>
      tpu.wait_indirect_dma semaphore(%arg15 : memref<!tpu.dma_semaphore, #tpu.memory_space<semaphore_mem>>) src(%dma_wait3A_213 : memref<10000x128xf32, #tpu.memory_space<hbm>>) dst(%arg10 : memref<64x128xf32, #tpu.memory_space<vmem>>)
      %dma_wait3A_214 = arith.constant 1 : i32
      %dma_wait3A_215 = arith.constant 0 : i32
      %dma_wait3A_216 = tpu.memref_slice %arg3[%dma_wait3A_214, %dma_wait3A_215] : memref<2x320000xi32, #tpu.memory_space<hbm>> -> memref<1x64xi32, #tpu.memory_space<hbm>>
      %dma_wait3A_217 = tpu.memref_squeeze %dma_wait3A_216 : memref<1x64xi32, #tpu.memory_space<hbm>> -> memref<64xi32, #tpu.memory_space<hbm>>
      %dma_wait3A_218 = arith.constant 0 : i32
      %dma_wait3A_219 = tpu.memref_slice %arg3[%dma_wait3A_214, %dma_wait3A_218] : memref<2x320000xi32, #tpu.memory_space<hbm>> -> memref<1x64xi32, #tpu.memory_space<hbm>>
      %dma_wait3A_220 = tpu.memref_squeeze %dma_wait3A_219 : memref<1x64xi32, #tpu.memory_space<hbm>> -> memref<64xi32, #tpu.memory_space<hbm>>
      tpu.wait_dma2 semaphore(%arg19 : memref<!tpu.dma_semaphore, #tpu.memory_space<semaphore_mem>>) src(%dma_wait3A_220 : memref<64xi32, #tpu.memory_space<hbm>>) dst(%arg6 : memref<64xi32, #tpu.memory_space<vmem>>)
      "tpu.region"() ({
        %run_scoped3A_317 = tpu.sem_alloc : memref<!tpu.dma_semaphore, #tpu.memory_space<semaphore_mem>>
        %dma_start3A_318 = arith.constant 0 : i32
        %dma_start3A_319 = arith.constant 0 : i32
        %dma_start3A_320 = tpu.memref_slice %arg14[%dma_start3A_318, %dma_start3A_319] : memref<10000x128xf32, #tpu.memory_space<vmem_shared>> -> memref<10000x128xf32, #tpu.memory_space<vmem_shared>>
        tpu.enqueue_indirect_dma source(%arg10 : memref<64x128xf32, #tpu.memory_space<vmem>>) target(%dma_start3A_320 : memref<10000x128xf32, #tpu.memory_space<vmem_shared>>) offsets(%arg6 : memref<64xi32, #tpu.memory_space<vmem>>) semaphore(%run_scoped3A_317 : memref<!tpu.dma_semaphore, #tpu.memory_space<semaphore_mem>>) {add = true}
        %dma_wait3A_321 = arith.constant 0 : i32
        %dma_wait3A_322 = arith.constant 0 : i32
        %dma_wait3A_323 = tpu.memref_slice %arg14[%dma_wait3A_321, %dma_wait3A_322] : memref<10000x128xf32, #tpu.memory_space<vmem_shared>> -> memref<10000x128xf32, #tpu.memory_space<vmem_shared>>
        tpu.wait_indirect_dma semaphore(%run_scoped3A_317 : memref<!tpu.dma_semaphore, #tpu.memory_space<semaphore_mem>>) src(%arg10 : memref<64x128xf32, #tpu.memory_space<vmem>>) dst(%dma_wait3A_323 : memref<10000x128xf32, #tpu.memory_space<vmem_shared>>)
        tpu.yield
      }) : () -> ()
      %add3A_221 = arith.constant 4 : i32
      %add3A_222 = arith.addi %mul3A_188, %add3A_221 : i32
      %sub3A_223 = arith.constant 1 : i32
      %sub3A_224 = arith.subi %add3A_222, %sub3A_223 : i32
      %add3A_225 = arith.constant 1 : i32
      %add3A_226 = arith.addi %sub3A_224, %add3A_225 : i32
      %mul3A_227 = arith.constant 64 : i32
      %mul3A_228 = arith.muli %add3A_226, %mul3A_227 : i32
      %dma_start3A_229 = tpu.memref_slice %arg5[%mul3A_228] : memref<10000xi32, #tpu.memory_space<vmem>> -> memref<64xi32, #tpu.memory_space<vmem>>
      %dma_start3A_230 = arith.constant 0 : i32
      %dma_start3A_231 = arith.constant 0 : i32
      %dma_start3A_232 = tpu.memref_slice %arg2[%dma_start3A_230, %dma_start3A_231] : memref<10000x128xf32, #tpu.memory_space<hbm>> -> memref<10000x128xf32, #tpu.memory_space<hbm>>
      tpu.enqueue_indirect_dma source(%dma_start3A_232 : memref<10000x128xf32, #tpu.memory_space<hbm>>) target(%arg10 : memref<64x128xf32, #tpu.memory_space<vmem>>) offsets(%dma_start3A_229 : memref<64xi32, #tpu.memory_space<vmem>>) semaphore(%arg15 : memref<!tpu.dma_semaphore, #tpu.memory_space<semaphore_mem>>)
      %mul3A_233 = arith.constant 64 : i32
      %mul3A_234 = arith.muli %add3A_226, %mul3A_233 : i32
      %add3A_235 = arith.addi %mul3A_2, %mul3A_234 : i32
      %dma_start3A_236 = arith.constant 1 : i32
      %dma_start3A_237 = tpu.memref_slice %arg3[%dma_start3A_236, %add3A_235] : memref<2x320000xi32, #tpu.memory_space<hbm>> -> memref<1x64xi32, #tpu.memory_space<hbm>>
      %dma_start3A_238 = tpu.memref_squeeze %dma_start3A_237 : memref<1x64xi32, #tpu.memory_space<hbm>> -> memref<64xi32, #tpu.memory_space<hbm>>
      %dma_start3A_239 = tpu.memref_slice %arg3[%dma_start3A_236, %add3A_235] : memref<2x320000xi32, #tpu.memory_space<hbm>> -> memref<1x64xi32, #tpu.memory_space<hbm>>
      %dma_start3A_240 = tpu.memref_squeeze %dma_start3A_239 : memref<1x64xi32, #tpu.memory_space<hbm>> -> memref<64xi32, #tpu.memory_space<hbm>>
      tpu.enqueue_dma source(%dma_start3A_240 : memref<64xi32, #tpu.memory_space<hbm>>) target(%arg6 : memref<64xi32, #tpu.memory_space<vmem>>) target_semaphore(%arg19 : memref<!tpu.dma_semaphore, #tpu.memory_space<semaphore_mem>>)
      %dma_wait3A_241 = arith.constant 0 : i32
      %dma_wait3A_242 = tpu.memref_slice %arg5[%dma_wait3A_241] : memref<10000xi32, #tpu.memory_space<vmem>> -> memref<64xi32, #tpu.memory_space<vmem>>
      %dma_wait3A_243 = arith.constant 0 : i32
      %dma_wait3A_244 = arith.constant 0 : i32
      %dma_wait3A_245 = tpu.memref_slice %arg2[%dma_wait3A_243, %dma_wait3A_244] : memref<10000x128xf32, #tpu.memory_space<hbm>> -> memref<10000x128xf32, #tpu.memory_space<hbm>>
      tpu.wait_indirect_dma semaphore(%arg16 : memref<!tpu.dma_semaphore, #tpu.memory_space<semaphore_mem>>) src(%dma_wait3A_245 : memref<10000x128xf32, #tpu.memory_space<hbm>>) dst(%arg11 : memref<64x128xf32, #tpu.memory_space<vmem>>)
      %dma_wait3A_246 = arith.constant 1 : i32
      %dma_wait3A_247 = arith.constant 0 : i32
      %dma_wait3A_248 = tpu.memref_slice %arg3[%dma_wait3A_246, %dma_wait3A_247] : memref<2x320000xi32, #tpu.memory_space<hbm>> -> memref<1x64xi32, #tpu.memory_space<hbm>>
      %dma_wait3A_249 = tpu.memref_squeeze %dma_wait3A_248 : memref<1x64xi32, #tpu.memory_space<hbm>> -> memref<64xi32, #tpu.memory_space<hbm>>
      %dma_wait3A_250 = arith.constant 0 : i32
      %dma_wait3A_251 = tpu.memref_slice %arg3[%dma_wait3A_246, %dma_wait3A_250] : memref<2x320000xi32, #tpu.memory_space<hbm>> -> memref<1x64xi32, #tpu.memory_space<hbm>>
      %dma_wait3A_252 = tpu.memref_squeeze %dma_wait3A_251 : memref<1x64xi32, #tpu.memory_space<hbm>> -> memref<64xi32, #tpu.memory_space<hbm>>
      tpu.wait_dma2 semaphore(%arg20 : memref<!tpu.dma_semaphore, #tpu.memory_space<semaphore_mem>>) src(%dma_wait3A_252 : memref<64xi32, #tpu.memory_space<hbm>>) dst(%arg7 : memref<64xi32, #tpu.memory_space<vmem>>)
      "tpu.region"() ({
        %run_scoped3A_317 = tpu.sem_alloc : memref<!tpu.dma_semaphore, #tpu.memory_space<semaphore_mem>>
        %dma_start3A_318 = arith.constant 0 : i32
        %dma_start3A_319 = arith.constant 0 : i32
        %dma_start3A_320 = tpu.memref_slice %arg14[%dma_start3A_318, %dma_start3A_319] : memref<10000x128xf32, #tpu.memory_space<vmem_shared>> -> memref<10000x128xf32, #tpu.memory_space<vmem_shared>>
        tpu.enqueue_indirect_dma source(%arg11 : memref<64x128xf32, #tpu.memory_space<vmem>>) target(%dma_start3A_320 : memref<10000x128xf32, #tpu.memory_space<vmem_shared>>) offsets(%arg7 : memref<64xi32, #tpu.memory_space<vmem>>) semaphore(%run_scoped3A_317 : memref<!tpu.dma_semaphore, #tpu.memory_space<semaphore_mem>>) {add = true}
        %dma_wait3A_321 = arith.constant 0 : i32
        %dma_wait3A_322 = arith.constant 0 : i32
        %dma_wait3A_323 = tpu.memref_slice %arg14[%dma_wait3A_321, %dma_wait3A_322] : memref<10000x128xf32, #tpu.memory_space<vmem_shared>> -> memref<10000x128xf32, #tpu.memory_space<vmem_shared>>
        tpu.wait_indirect_dma semaphore(%run_scoped3A_317 : memref<!tpu.dma_semaphore, #tpu.memory_space<semaphore_mem>>) src(%arg11 : memref<64x128xf32, #tpu.memory_space<vmem>>) dst(%dma_wait3A_323 : memref<10000x128xf32, #tpu.memory_space<vmem_shared>>)
        tpu.yield
      }) : () -> ()
      %add3A_253 = arith.constant 4 : i32
      %add3A_254 = arith.addi %mul3A_188, %add3A_253 : i32
      %sub3A_255 = arith.constant 1 : i32
      %sub3A_256 = arith.subi %add3A_254, %sub3A_255 : i32
      %add3A_257 = arith.constant 2 : i32
      %add3A_258 = arith.addi %sub3A_256, %add3A_257 : i32
      %mul3A_259 = arith.constant 64 : i32
      %mul3A_260 = arith.muli %add3A_258, %mul3A_259 : i32
      %dma_start3A_261 = tpu.memref_slice %arg5[%mul3A_260] : memref<10000xi32, #tpu.memory_space<vmem>> -> memref<64xi32, #tpu.memory_space<vmem>>
      %dma_start3A_262 = arith.constant 0 : i32
      %dma_start3A_263 = arith.constant 0 : i32
      %dma_start3A_264 = tpu.memref_slice %arg2[%dma_start3A_262, %dma_start3A_263] : memref<10000x128xf32, #tpu.memory_space<hbm>> -> memref<10000x128xf32, #tpu.memory_space<hbm>>
      tpu.enqueue_indirect_dma source(%dma_start3A_264 : memref<10000x128xf32, #tpu.memory_space<hbm>>) target(%arg11 : memref<64x128xf32, #tpu.memory_space<vmem>>) offsets(%dma_start3A_261 : memref<64xi32, #tpu.memory_space<vmem>>) semaphore(%arg16 : memref<!tpu.dma_semaphore, #tpu.memory_space<semaphore_mem>>)
      %mul3A_265 = arith.constant 64 : i32
      %mul3A_266 = arith.muli %add3A_258, %mul3A_265 : i32
      %add3A_267 = arith.addi %mul3A_2, %mul3A_266 : i32
      %dma_start3A_268 = arith.constant 1 : i32
      %dma_start3A_269 = tpu.memref_slice %arg3[%dma_start3A_268, %add3A_267] : memref<2x320000xi32, #tpu.memory_space<hbm>> -> memref<1x64xi32, #tpu.memory_space<hbm>>
      %dma_start3A_270 = tpu.memref_squeeze %dma_start3A_269 : memref<1x64xi32, #tpu.memory_space<hbm>> -> memref<64xi32, #tpu.memory_space<hbm>>
      %dma_start3A_271 = tpu.memref_slice %arg3[%dma_start3A_268, %add3A_267] : memref<2x320000xi32, #tpu.memory_space<hbm>> -> memref<1x64xi32, #tpu.memory_space<hbm>>
      %dma_start3A_272 = tpu.memref_squeeze %dma_start3A_271 : memref<1x64xi32, #tpu.memory_space<hbm>> -> memref<64xi32, #tpu.memory_space<hbm>>
      tpu.enqueue_dma source(%dma_start3A_272 : memref<64xi32, #tpu.memory_space<hbm>>) target(%arg7 : memref<64xi32, #tpu.memory_space<vmem>>) target_semaphore(%arg20 : memref<!tpu.dma_semaphore, #tpu.memory_space<semaphore_mem>>)
      %dma_wait3A_273 = arith.constant 0 : i32
      %dma_wait3A_274 = tpu.memref_slice %arg5[%dma_wait3A_273] : memref<10000xi32, #tpu.memory_space<vmem>> -> memref<64xi32, #tpu.memory_space<vmem>>
      %dma_wait3A_275 = arith.constant 0 : i32
      %dma_wait3A_276 = arith.constant 0 : i32
      %dma_wait3A_277 = tpu.memref_slice %arg2[%dma_wait3A_275, %dma_wait3A_276] : memref<10000x128xf32, #tpu.memory_space<hbm>> -> memref<10000x128xf32, #tpu.memory_space<hbm>>
      tpu.wait_indirect_dma semaphore(%arg17 : memref<!tpu.dma_semaphore, #tpu.memory_space<semaphore_mem>>) src(%dma_wait3A_277 : memref<10000x128xf32, #tpu.memory_space<hbm>>) dst(%arg12 : memref<64x128xf32, #tpu.memory_space<vmem>>)
      %dma_wait3A_278 = arith.constant 1 : i32
      %dma_wait3A_279 = arith.constant 0 : i32
      %dma_wait3A_280 = tpu.memref_slice %arg3[%dma_wait3A_278, %dma_wait3A_279] : memref<2x320000xi32, #tpu.memory_space<hbm>> -> memref<1x64xi32, #tpu.memory_space<hbm>>
      %dma_wait3A_281 = tpu.memref_squeeze %dma_wait3A_280 : memref<1x64xi32, #tpu.memory_space<hbm>> -> memref<64xi32, #tpu.memory_space<hbm>>
      %dma_wait3A_282 = arith.constant 0 : i32
      %dma_wait3A_283 = tpu.memref_slice %arg3[%dma_wait3A_278, %dma_wait3A_282] : memref<2x320000xi32, #tpu.memory_space<hbm>> -> memref<1x64xi32, #tpu.memory_space<hbm>>
      %dma_wait3A_284 = tpu.memref_squeeze %dma_wait3A_283 : memref<1x64xi32, #tpu.memory_space<hbm>> -> memref<64xi32, #tpu.memory_space<hbm>>
      tpu.wait_dma2 semaphore(%arg21 : memref<!tpu.dma_semaphore, #tpu.memory_space<semaphore_mem>>) src(%dma_wait3A_284 : memref<64xi32, #tpu.memory_space<hbm>>) dst(%arg8 : memref<64xi32, #tpu.memory_space<vmem>>)
      "tpu.region"() ({
        %run_scoped3A_317 = tpu.sem_alloc : memref<!tpu.dma_semaphore, #tpu.memory_space<semaphore_mem>>
        %dma_start3A_318 = arith.constant 0 : i32
        %dma_start3A_319 = arith.constant 0 : i32
        %dma_start3A_320 = tpu.memref_slice %arg14[%dma_start3A_318, %dma_start3A_319] : memref<10000x128xf32, #tpu.memory_space<vmem_shared>> -> memref<10000x128xf32, #tpu.memory_space<vmem_shared>>
        tpu.enqueue_indirect_dma source(%arg12 : memref<64x128xf32, #tpu.memory_space<vmem>>) target(%dma_start3A_320 : memref<10000x128xf32, #tpu.memory_space<vmem_shared>>) offsets(%arg8 : memref<64xi32, #tpu.memory_space<vmem>>) semaphore(%run_scoped3A_317 : memref<!tpu.dma_semaphore, #tpu.memory_space<semaphore_mem>>) {add = true}
        %dma_wait3A_321 = arith.constant 0 : i32
        %dma_wait3A_322 = arith.constant 0 : i32
        %dma_wait3A_323 = tpu.memref_slice %arg14[%dma_wait3A_321, %dma_wait3A_322] : memref<10000x128xf32, #tpu.memory_space<vmem_shared>> -> memref<10000x128xf32, #tpu.memory_space<vmem_shared>>
        tpu.wait_indirect_dma semaphore(%run_scoped3A_317 : memref<!tpu.dma_semaphore, #tpu.memory_space<semaphore_mem>>) src(%arg12 : memref<64x128xf32, #tpu.memory_space<vmem>>) dst(%dma_wait3A_323 : memref<10000x128xf32, #tpu.memory_space<vmem_shared>>)
        tpu.yield
      }) : () -> ()
      %add3A_285 = arith.constant 4 : i32
      %add3A_286 = arith.addi %mul3A_188, %add3A_285 : i32
      %sub3A_287 = arith.constant 1 : i32
      %sub3A_288 = arith.subi %add3A_286, %sub3A_287 : i32
      %add3A_289 = arith.constant 3 : i32
      %add3A_290 = arith.addi %sub3A_288, %add3A_289 : i32
      %mul3A_291 = arith.constant 64 : i32
      %mul3A_292 = arith.muli %add3A_290, %mul3A_291 : i32
      %dma_start3A_293 = tpu.memref_slice %arg5[%mul3A_292] : memref<10000xi32, #tpu.memory_space<vmem>> -> memref<64xi32, #tpu.memory_space<vmem>>
      %dma_start3A_294 = arith.constant 0 : i32
      %dma_start3A_295 = arith.constant 0 : i32
      %dma_start3A_296 = tpu.memref_slice %arg2[%dma_start3A_294, %dma_start3A_295] : memref<10000x128xf32, #tpu.memory_space<hbm>> -> memref<10000x128xf32, #tpu.memory_space<hbm>>
      tpu.enqueue_indirect_dma source(%dma_start3A_296 : memref<10000x128xf32, #tpu.memory_space<hbm>>) target(%arg12 : memref<64x128xf32, #tpu.memory_space<vmem>>) offsets(%dma_start3A_293 : memref<64xi32, #tpu.memory_space<vmem>>) semaphore(%arg17 : memref<!tpu.dma_semaphore, #tpu.memory_space<semaphore_mem>>)
      %mul3A_297 = arith.constant 64 : i32
      %mul3A_298 = arith.muli %add3A_290, %mul3A_297 : i32
      %add3A_299 = arith.addi %mul3A_2, %mul3A_298 : i32
      %dma_start3A_300 = arith.constant 1 : i32
      %dma_start3A_301 = tpu.memref_slice %arg3[%dma_start3A_300, %add3A_299] : memref<2x320000xi32, #tpu.memory_space<hbm>> -> memref<1x64xi32, #tpu.memory_space<hbm>>
      %dma_start3A_302 = tpu.memref_squeeze %dma_start3A_301 : memref<1x64xi32, #tpu.memory_space<hbm>> -> memref<64xi32, #tpu.memory_space<hbm>>
      %dma_start3A_303 = tpu.memref_slice %arg3[%dma_start3A_300, %add3A_299] : memref<2x320000xi32, #tpu.memory_space<hbm>> -> memref<1x64xi32, #tpu.memory_space<hbm>>
      %dma_start3A_304 = tpu.memref_squeeze %dma_start3A_303 : memref<1x64xi32, #tpu.memory_space<hbm>> -> memref<64xi32, #tpu.memory_space<hbm>>
      tpu.enqueue_dma source(%dma_start3A_304 : memref<64xi32, #tpu.memory_space<hbm>>) target(%arg8 : memref<64xi32, #tpu.memory_space<vmem>>) target_semaphore(%arg21 : memref<!tpu.dma_semaphore, #tpu.memory_space<semaphore_mem>>)
      %dma_wait3A_305 = arith.constant 0 : i32
      %dma_wait3A_306 = tpu.memref_slice %arg5[%dma_wait3A_305] : memref<10000xi32, #tpu.memory_space<vmem>> -> memref<64xi32, #tpu.memory_space<vmem>>
      %dma_wait3A_307 = arith.constant 0 : i32
      %dma_wait3A_308 = arith.constant 0 : i32
      %dma_wait3A_309 = tpu.memref_slice %arg2[%dma_wait3A_307, %dma_wait3A_308] : memref<10000x128xf32, #tpu.memory_space<hbm>> -> memref<10000x128xf32, #tpu.memory_space<hbm>>
      tpu.wait_indirect_dma semaphore(%arg18 : memref<!tpu.dma_semaphore, #tpu.memory_space<semaphore_mem>>) src(%dma_wait3A_309 : memref<10000x128xf32, #tpu.memory_space<hbm>>) dst(%arg13 : memref<64x128xf32, #tpu.memory_space<vmem>>)
      %dma_wait3A_310 = arith.constant 1 : i32
      %dma_wait3A_311 = arith.constant 0 : i32
      %dma_wait3A_312 = tpu.memref_slice %arg3[%dma_wait3A_310, %dma_wait3A_311] : memref<2x320000xi32, #tpu.memory_space<hbm>> -> memref<1x64xi32, #tpu.memory_space<hbm>>
      %dma_wait3A_313 = tpu.memref_squeeze %dma_wait3A_312 : memref<1x64xi32, #tpu.memory_space<hbm>> -> memref<64xi32, #tpu.memory_space<hbm>>
      %dma_wait3A_314 = arith.constant 0 : i32
      %dma_wait3A_315 = tpu.memref_slice %arg3[%dma_wait3A_310, %dma_wait3A_314] : memref<2x320000xi32, #tpu.memory_space<hbm>> -> memref<1x64xi32, #tpu.memory_space<hbm>>
      %dma_wait3A_316 = tpu.memref_squeeze %dma_wait3A_315 : memref<1x64xi32, #tpu.memory_space<hbm>> -> memref<64xi32, #tpu.memory_space<hbm>>
      tpu.wait_dma2 semaphore(%arg22 : memref<!tpu.dma_semaphore, #tpu.memory_space<semaphore_mem>>) src(%dma_wait3A_316 : memref<64xi32, #tpu.memory_space<hbm>>) dst(%arg9 : memref<64xi32, #tpu.memory_space<vmem>>)
      "tpu.region"() ({
        %run_scoped3A_317 = tpu.sem_alloc : memref<!tpu.dma_semaphore, #tpu.memory_space<semaphore_mem>>
        %dma_start3A_318 = arith.constant 0 : i32
        %dma_start3A_319 = arith.constant 0 : i32
        %dma_start3A_320 = tpu.memref_slice %arg14[%dma_start3A_318, %dma_start3A_319] : memref<10000x128xf32, #tpu.memory_space<vmem_shared>> -> memref<10000x128xf32, #tpu.memory_space<vmem_shared>>
        tpu.enqueue_indirect_dma source(%arg13 : memref<64x128xf32, #tpu.memory_space<vmem>>) target(%dma_start3A_320 : memref<10000x128xf32, #tpu.memory_space<vmem_shared>>) offsets(%arg9 : memref<64xi32, #tpu.memory_space<vmem>>) semaphore(%run_scoped3A_317 : memref<!tpu.dma_semaphore, #tpu.memory_space<semaphore_mem>>) {add = true}
        %dma_wait3A_321 = arith.constant 0 : i32
        %dma_wait3A_322 = arith.constant 0 : i32
        %dma_wait3A_323 = tpu.memref_slice %arg14[%dma_wait3A_321, %dma_wait3A_322] : memref<10000x128xf32, #tpu.memory_space<vmem_shared>> -> memref<10000x128xf32, #tpu.memory_space<vmem_shared>>
        tpu.wait_indirect_dma semaphore(%run_scoped3A_317 : memref<!tpu.dma_semaphore, #tpu.memory_space<semaphore_mem>>) src(%arg13 : memref<64x128xf32, #tpu.memory_space<vmem>>) dst(%dma_wait3A_323 : memref<10000x128xf32, #tpu.memory_space<vmem_shared>>)
        tpu.yield
      }) : () -> ()
    }
    %scan3A_92 = arith.constant 38 : i32
    %dma_start3A_93 = arith.constant 9920 : i32
    %dma_start3A_94 = tpu.memref_slice %arg5[%dma_start3A_93] : memref<10000xi32, #tpu.memory_space<vmem>> -> memref<64xi32, #tpu.memory_space<vmem>>
    %dma_start3A_95 = arith.constant 0 : i32
    %dma_start3A_96 = arith.constant 0 : i32
    %dma_start3A_97 = tpu.memref_slice %arg2[%dma_start3A_95, %dma_start3A_96] : memref<10000x128xf32, #tpu.memory_space<hbm>> -> memref<10000x128xf32, #tpu.memory_space<hbm>>
    tpu.enqueue_indirect_dma source(%dma_start3A_97 : memref<10000x128xf32, #tpu.memory_space<hbm>>) target(%arg13 : memref<64x128xf32, #tpu.memory_space<vmem>>) offsets(%dma_start3A_94 : memref<64xi32, #tpu.memory_space<vmem>>) semaphore(%arg18 : memref<!tpu.dma_semaphore, #tpu.memory_space<semaphore_mem>>)
    %add3A_98 = arith.constant 9920 : i32
    %add3A_99 = arith.addi %mul3A_2, %add3A_98 : i32
    %dma_start3A_100 = arith.constant 1 : i32
    %dma_start3A_101 = tpu.memref_slice %arg3[%dma_start3A_100, %add3A_99] : memref<2x320000xi32, #tpu.memory_space<hbm>> -> memref<1x64xi32, #tpu.memory_space<hbm>>
    %dma_start3A_102 = tpu.memref_squeeze %dma_start3A_101 : memref<1x64xi32, #tpu.memory_space<hbm>> -> memref<64xi32, #tpu.memory_space<hbm>>
    %dma_start3A_103 = tpu.memref_slice %arg3[%dma_start3A_100, %add3A_99] : memref<2x320000xi32, #tpu.memory_space<hbm>> -> memref<1x64xi32, #tpu.memory_space<hbm>>
    %dma_start3A_104 = tpu.memref_squeeze %dma_start3A_103 : memref<1x64xi32, #tpu.memory_space<hbm>> -> memref<64xi32, #tpu.memory_space<hbm>>
    tpu.enqueue_dma source(%dma_start3A_104 : memref<64xi32, #tpu.memory_space<hbm>>) target(%arg9 : memref<64xi32, #tpu.memory_space<vmem>>) target_semaphore(%arg22 : memref<!tpu.dma_semaphore, #tpu.memory_space<semaphore_mem>>)
    %dma_wait3A = arith.constant 0 : i32
    %dma_wait3A_105 = tpu.memref_slice %arg5[%dma_wait3A] : memref<10000xi32, #tpu.memory_space<vmem>> -> memref<64xi32, #tpu.memory_space<vmem>>
    %dma_wait3A_106 = arith.constant 0 : i32
    %dma_wait3A_107 = arith.constant 0 : i32
    %dma_wait3A_108 = tpu.memref_slice %arg2[%dma_wait3A_106, %dma_wait3A_107] : memref<10000x128xf32, #tpu.memory_space<hbm>> -> memref<10000x128xf32, #tpu.memory_space<hbm>>
    tpu.wait_indirect_dma semaphore(%arg15 : memref<!tpu.dma_semaphore, #tpu.memory_space<semaphore_mem>>) src(%dma_wait3A_108 : memref<10000x128xf32, #tpu.memory_space<hbm>>) dst(%arg10 : memref<64x128xf32, #tpu.memory_space<vmem>>)
    %dma_wait3A_109 = arith.constant 1 : i32
    %dma_wait3A_110 = arith.constant 0 : i32
    %dma_wait3A_111 = tpu.memref_slice %arg3[%dma_wait3A_109, %dma_wait3A_110] : memref<2x320000xi32, #tpu.memory_space<hbm>> -> memref<1x64xi32, #tpu.memory_space<hbm>>
    %dma_wait3A_112 = tpu.memref_squeeze %dma_wait3A_111 : memref<1x64xi32, #tpu.memory_space<hbm>> -> memref<64xi32, #tpu.memory_space<hbm>>
    %dma_wait3A_113 = arith.constant 0 : i32
    %dma_wait3A_114 = tpu.memref_slice %arg3[%dma_wait3A_109, %dma_wait3A_113] : memref<2x320000xi32, #tpu.memory_space<hbm>> -> memref<1x64xi32, #tpu.memory_space<hbm>>
    %dma_wait3A_115 = tpu.memref_squeeze %dma_wait3A_114 : memref<1x64xi32, #tpu.memory_space<hbm>> -> memref<64xi32, #tpu.memory_space<hbm>>
    tpu.wait_dma2 semaphore(%arg19 : memref<!tpu.dma_semaphore, #tpu.memory_space<semaphore_mem>>) src(%dma_wait3A_115 : memref<64xi32, #tpu.memory_space<hbm>>) dst(%arg6 : memref<64xi32, #tpu.memory_space<vmem>>)
    "tpu.region"() ({
      %run_scoped3A_186 = tpu.sem_alloc : memref<!tpu.dma_semaphore, #tpu.memory_space<semaphore_mem>>
      %dma_start3A_187 = arith.constant 0 : i32
      %dma_start3A_188 = arith.constant 0 : i32
      %dma_start3A_189 = tpu.memref_slice %arg14[%dma_start3A_187, %dma_start3A_188] : memref<10000x128xf32, #tpu.memory_space<vmem_shared>> -> memref<10000x128xf32, #tpu.memory_space<vmem_shared>>
      tpu.enqueue_indirect_dma source(%arg10 : memref<64x128xf32, #tpu.memory_space<vmem>>) target(%dma_start3A_189 : memref<10000x128xf32, #tpu.memory_space<vmem_shared>>) offsets(%arg6 : memref<64xi32, #tpu.memory_space<vmem>>) semaphore(%run_scoped3A_186 : memref<!tpu.dma_semaphore, #tpu.memory_space<semaphore_mem>>) {add = true}
      %dma_wait3A_190 = arith.constant 0 : i32
      %dma_wait3A_191 = arith.constant 0 : i32
      %dma_wait3A_192 = tpu.memref_slice %arg14[%dma_wait3A_190, %dma_wait3A_191] : memref<10000x128xf32, #tpu.memory_space<vmem_shared>> -> memref<10000x128xf32, #tpu.memory_space<vmem_shared>>
      tpu.wait_indirect_dma semaphore(%run_scoped3A_186 : memref<!tpu.dma_semaphore, #tpu.memory_space<semaphore_mem>>) src(%arg10 : memref<64x128xf32, #tpu.memory_space<vmem>>) dst(%dma_wait3A_192 : memref<10000x128xf32, #tpu.memory_space<vmem_shared>>)
      tpu.yield
    }) : () -> ()
    %dma_start3A_116 = arith.constant 9984 : i32
    %dma_start3A_117 = tpu.memref_slice %arg5[%dma_start3A_116] : memref<10000xi32, #tpu.memory_space<vmem>> -> memref<16xi32, #tpu.memory_space<vmem>>
    %dma_start3A_118 = arith.constant 0 : i32
    %dma_start3A_119 = arith.constant 0 : i32
    %dma_start3A_120 = tpu.memref_slice %arg2[%dma_start3A_118, %dma_start3A_119] : memref<10000x128xf32, #tpu.memory_space<hbm>> -> memref<10000x128xf32, #tpu.memory_space<hbm>>
    tpu.enqueue_indirect_dma source(%dma_start3A_120 : memref<10000x128xf32, #tpu.memory_space<hbm>>) target(%arg24 : memref<16x128xf32, #tpu.memory_space<vmem>>) offsets(%dma_start3A_117 : memref<16xi32, #tpu.memory_space<vmem>>) semaphore(%arg25 : memref<!tpu.dma_semaphore, #tpu.memory_space<semaphore_mem>>)
    %add3A_121 = arith.constant 9984 : i32
    %add3A_122 = arith.addi %mul3A_2, %add3A_121 : i32
    %dma_start3A_123 = arith.constant 1 : i32
    %dma_start3A_124 = tpu.memref_slice %arg3[%dma_start3A_123, %add3A_122] : memref<2x320000xi32, #tpu.memory_space<hbm>> -> memref<1x16xi32, #tpu.memory_space<hbm>>
    %dma_start3A_125 = tpu.memref_squeeze %dma_start3A_124 : memref<1x16xi32, #tpu.memory_space<hbm>> -> memref<16xi32, #tpu.memory_space<hbm>>
    %dma_start3A_126 = tpu.memref_slice %arg3[%dma_start3A_123, %add3A_122] : memref<2x320000xi32, #tpu.memory_space<hbm>> -> memref<1x16xi32, #tpu.memory_space<hbm>>
    %dma_start3A_127 = tpu.memref_squeeze %dma_start3A_126 : memref<1x16xi32, #tpu.memory_space<hbm>> -> memref<16xi32, #tpu.memory_space<hbm>>
    tpu.enqueue_dma source(%dma_start3A_127 : memref<16xi32, #tpu.memory_space<hbm>>) target(%arg23 : memref<16xi32, #tpu.memory_space<vmem>>) target_semaphore(%arg26 : memref<!tpu.dma_semaphore, #tpu.memory_space<semaphore_mem>>)
    %dma_wait3A_128 = arith.constant 0 : i32
    %dma_wait3A_129 = tpu.memref_slice %arg5[%dma_wait3A_128] : memref<10000xi32, #tpu.memory_space<vmem>> -> memref<64xi32, #tpu.memory_space<vmem>>
    %dma_wait3A_130 = arith.constant 0 : i32
    %dma_wait3A_131 = arith.constant 0 : i32
    %dma_wait3A_132 = tpu.memref_slice %arg2[%dma_wait3A_130, %dma_wait3A_131] : memref<10000x128xf32, #tpu.memory_space<hbm>> -> memref<10000x128xf32, #tpu.memory_space<hbm>>
    tpu.wait_indirect_dma semaphore(%arg16 : memref<!tpu.dma_semaphore, #tpu.memory_space<semaphore_mem>>) src(%dma_wait3A_132 : memref<10000x128xf32, #tpu.memory_space<hbm>>) dst(%arg11 : memref<64x128xf32, #tpu.memory_space<vmem>>)
    %dma_wait3A_133 = arith.constant 1 : i32
    %dma_wait3A_134 = arith.constant 0 : i32
    %dma_wait3A_135 = tpu.memref_slice %arg3[%dma_wait3A_133, %dma_wait3A_134] : memref<2x320000xi32, #tpu.memory_space<hbm>> -> memref<1x64xi32, #tpu.memory_space<hbm>>
    %dma_wait3A_136 = tpu.memref_squeeze %dma_wait3A_135 : memref<1x64xi32, #tpu.memory_space<hbm>> -> memref<64xi32, #tpu.memory_space<hbm>>
    %dma_wait3A_137 = arith.constant 0 : i32
    %dma_wait3A_138 = tpu.memref_slice %arg3[%dma_wait3A_133, %dma_wait3A_137] : memref<2x320000xi32, #tpu.memory_space<hbm>> -> memref<1x64xi32, #tpu.memory_space<hbm>>
    %dma_wait3A_139 = tpu.memref_squeeze %dma_wait3A_138 : memref<1x64xi32, #tpu.memory_space<hbm>> -> memref<64xi32, #tpu.memory_space<hbm>>
    tpu.wait_dma2 semaphore(%arg20 : memref<!tpu.dma_semaphore, #tpu.memory_space<semaphore_mem>>) src(%dma_wait3A_139 : memref<64xi32, #tpu.memory_space<hbm>>) dst(%arg7 : memref<64xi32, #tpu.memory_space<vmem>>)
    "tpu.region"() ({
      %run_scoped3A_186 = tpu.sem_alloc : memref<!tpu.dma_semaphore, #tpu.memory_space<semaphore_mem>>
      %dma_start3A_187 = arith.constant 0 : i32
      %dma_start3A_188 = arith.constant 0 : i32
      %dma_start3A_189 = tpu.memref_slice %arg14[%dma_start3A_187, %dma_start3A_188] : memref<10000x128xf32, #tpu.memory_space<vmem_shared>> -> memref<10000x128xf32, #tpu.memory_space<vmem_shared>>
      tpu.enqueue_indirect_dma source(%arg11 : memref<64x128xf32, #tpu.memory_space<vmem>>) target(%dma_start3A_189 : memref<10000x128xf32, #tpu.memory_space<vmem_shared>>) offsets(%arg7 : memref<64xi32, #tpu.memory_space<vmem>>) semaphore(%run_scoped3A_186 : memref<!tpu.dma_semaphore, #tpu.memory_space<semaphore_mem>>) {add = true}
      %dma_wait3A_190 = arith.constant 0 : i32
      %dma_wait3A_191 = arith.constant 0 : i32
      %dma_wait3A_192 = tpu.memref_slice %arg14[%dma_wait3A_190, %dma_wait3A_191] : memref<10000x128xf32, #tpu.memory_space<vmem_shared>> -> memref<10000x128xf32, #tpu.memory_space<vmem_shared>>
      tpu.wait_indirect_dma semaphore(%run_scoped3A_186 : memref<!tpu.dma_semaphore, #tpu.memory_space<semaphore_mem>>) src(%arg11 : memref<64x128xf32, #tpu.memory_space<vmem>>) dst(%dma_wait3A_192 : memref<10000x128xf32, #tpu.memory_space<vmem_shared>>)
      tpu.yield
    }) : () -> ()
    %dma_wait3A_140 = arith.constant 0 : i32
    %dma_wait3A_141 = tpu.memref_slice %arg5[%dma_wait3A_140] : memref<10000xi32, #tpu.memory_space<vmem>> -> memref<64xi32, #tpu.memory_space<vmem>>
    %dma_wait3A_142 = arith.constant 0 : i32
    %dma_wait3A_143 = arith.constant 0 : i32
    %dma_wait3A_144 = tpu.memref_slice %arg2[%dma_wait3A_142, %dma_wait3A_143] : memref<10000x128xf32, #tpu.memory_space<hbm>> -> memref<10000x128xf32, #tpu.memory_space<hbm>>
    tpu.wait_indirect_dma semaphore(%arg17 : memref<!tpu.dma_semaphore, #tpu.memory_space<semaphore_mem>>) src(%dma_wait3A_144 : memref<10000x128xf32, #tpu.memory_space<hbm>>) dst(%arg12 : memref<64x128xf32, #tpu.memory_space<vmem>>)
    %dma_wait3A_145 = arith.constant 1 : i32
    %dma_wait3A_146 = arith.constant 0 : i32
    %dma_wait3A_147 = tpu.memref_slice %arg3[%dma_wait3A_145, %dma_wait3A_146] : memref<2x320000xi32, #tpu.memory_space<hbm>> -> memref<1x64xi32, #tpu.memory_space<hbm>>
    %dma_wait3A_148 = tpu.memref_squeeze %dma_wait3A_147 : memref<1x64xi32, #tpu.memory_space<hbm>> -> memref<64xi32, #tpu.memory_space<hbm>>
    %dma_wait3A_149 = arith.constant 0 : i32
    %dma_wait3A_150 = tpu.memref_slice %arg3[%dma_wait3A_145, %dma_wait3A_149] : memref<2x320000xi32, #tpu.memory_space<hbm>> -> memref<1x64xi32, #tpu.memory_space<hbm>>
    %dma_wait3A_151 = tpu.memref_squeeze %dma_wait3A_150 : memref<1x64xi32, #tpu.memory_space<hbm>> -> memref<64xi32, #tpu.memory_space<hbm>>
    tpu.wait_dma2 semaphore(%arg21 : memref<!tpu.dma_semaphore, #tpu.memory_space<semaphore_mem>>) src(%dma_wait3A_151 : memref<64xi32, #tpu.memory_space<hbm>>) dst(%arg8 : memref<64xi32, #tpu.memory_space<vmem>>)
    "tpu.region"() ({
      %run_scoped3A_186 = tpu.sem_alloc : memref<!tpu.dma_semaphore, #tpu.memory_space<semaphore_mem>>
      %dma_start3A_187 = arith.constant 0 : i32
      %dma_start3A_188 = arith.constant 0 : i32
      %dma_start3A_189 = tpu.memref_slice %arg14[%dma_start3A_187, %dma_start3A_188] : memref<10000x128xf32, #tpu.memory_space<vmem_shared>> -> memref<10000x128xf32, #tpu.memory_space<vmem_shared>>
      tpu.enqueue_indirect_dma source(%arg12 : memref<64x128xf32, #tpu.memory_space<vmem>>) target(%dma_start3A_189 : memref<10000x128xf32, #tpu.memory_space<vmem_shared>>) offsets(%arg8 : memref<64xi32, #tpu.memory_space<vmem>>) semaphore(%run_scoped3A_186 : memref<!tpu.dma_semaphore, #tpu.memory_space<semaphore_mem>>) {add = true}
      %dma_wait3A_190 = arith.constant 0 : i32
      %dma_wait3A_191 = arith.constant 0 : i32
      %dma_wait3A_192 = tpu.memref_slice %arg14[%dma_wait3A_190, %dma_wait3A_191] : memref<10000x128xf32, #tpu.memory_space<vmem_shared>> -> memref<10000x128xf32, #tpu.memory_space<vmem_shared>>
      tpu.wait_indirect_dma semaphore(%run_scoped3A_186 : memref<!tpu.dma_semaphore, #tpu.memory_space<semaphore_mem>>) src(%arg12 : memref<64x128xf32, #tpu.memory_space<vmem>>) dst(%dma_wait3A_192 : memref<10000x128xf32, #tpu.memory_space<vmem_shared>>)
      tpu.yield
    }) : () -> ()
    %dma_wait3A_152 = arith.constant 0 : i32
    %dma_wait3A_153 = tpu.memref_slice %arg5[%dma_wait3A_152] : memref<10000xi32, #tpu.memory_space<vmem>> -> memref<64xi32, #tpu.memory_space<vmem>>
    %dma_wait3A_154 = arith.constant 0 : i32
    %dma_wait3A_155 = arith.constant 0 : i32
    %dma_wait3A_156 = tpu.memref_slice %arg2[%dma_wait3A_154, %dma_wait3A_155] : memref<10000x128xf32, #tpu.memory_space<hbm>> -> memref<10000x128xf32, #tpu.memory_space<hbm>>
    tpu.wait_indirect_dma semaphore(%arg18 : memref<!tpu.dma_semaphore, #tpu.memory_space<semaphore_mem>>) src(%dma_wait3A_156 : memref<10000x128xf32, #tpu.memory_space<hbm>>) dst(%arg13 : memref<64x128xf32, #tpu.memory_space<vmem>>)
    %dma_wait3A_157 = arith.constant 1 : i32
    %dma_wait3A_158 = arith.constant 0 : i32
    %dma_wait3A_159 = tpu.memref_slice %arg3[%dma_wait3A_157, %dma_wait3A_158] : memref<2x320000xi32, #tpu.memory_space<hbm>> -> memref<1x64xi32, #tpu.memory_space<hbm>>
    %dma_wait3A_160 = tpu.memref_squeeze %dma_wait3A_159 : memref<1x64xi32, #tpu.memory_space<hbm>> -> memref<64xi32, #tpu.memory_space<hbm>>
    %dma_wait3A_161 = arith.constant 0 : i32
    %dma_wait3A_162 = tpu.memref_slice %arg3[%dma_wait3A_157, %dma_wait3A_161] : memref<2x320000xi32, #tpu.memory_space<hbm>> -> memref<1x64xi32, #tpu.memory_space<hbm>>
    %dma_wait3A_163 = tpu.memref_squeeze %dma_wait3A_162 : memref<1x64xi32, #tpu.memory_space<hbm>> -> memref<64xi32, #tpu.memory_space<hbm>>
    tpu.wait_dma2 semaphore(%arg22 : memref<!tpu.dma_semaphore, #tpu.memory_space<semaphore_mem>>) src(%dma_wait3A_163 : memref<64xi32, #tpu.memory_space<hbm>>) dst(%arg9 : memref<64xi32, #tpu.memory_space<vmem>>)
    "tpu.region"() ({
      %run_scoped3A_186 = tpu.sem_alloc : memref<!tpu.dma_semaphore, #tpu.memory_space<semaphore_mem>>
      %dma_start3A_187 = arith.constant 0 : i32
      %dma_start3A_188 = arith.constant 0 : i32
      %dma_start3A_189 = tpu.memref_slice %arg14[%dma_start3A_187, %dma_start3A_188] : memref<10000x128xf32, #tpu.memory_space<vmem_shared>> -> memref<10000x128xf32, #tpu.memory_space<vmem_shared>>
      tpu.enqueue_indirect_dma source(%arg13 : memref<64x128xf32, #tpu.memory_space<vmem>>) target(%dma_start3A_189 : memref<10000x128xf32, #tpu.memory_space<vmem_shared>>) offsets(%arg9 : memref<64xi32, #tpu.memory_space<vmem>>) semaphore(%run_scoped3A_186 : memref<!tpu.dma_semaphore, #tpu.memory_space<semaphore_mem>>) {add = true}
      %dma_wait3A_190 = arith.constant 0 : i32
      %dma_wait3A_191 = arith.constant 0 : i32
      %dma_wait3A_192 = tpu.memref_slice %arg14[%dma_wait3A_190, %dma_wait3A_191] : memref<10000x128xf32, #tpu.memory_space<vmem_shared>> -> memref<10000x128xf32, #tpu.memory_space<vmem_shared>>
      tpu.wait_indirect_dma semaphore(%run_scoped3A_186 : memref<!tpu.dma_semaphore, #tpu.memory_space<semaphore_mem>>) src(%arg13 : memref<64x128xf32, #tpu.memory_space<vmem>>) dst(%dma_wait3A_192 : memref<10000x128xf32, #tpu.memory_space<vmem_shared>>)
      tpu.yield
    }) : () -> ()
    %dma_wait3A_164 = arith.constant 0 : i32
    %dma_wait3A_165 = tpu.memref_slice %arg5[%dma_wait3A_164] : memref<10000xi32, #tpu.memory_space<vmem>> -> memref<16xi32, #tpu.memory_space<vmem>>
    %dma_wait3A_166 = arith.constant 0 : i32
    %dma_wait3A_167 = arith.constant 0 : i32
    %dma_wait3A_168 = tpu.memref_slice %arg2[%dma_wait3A_166, %dma_wait3A_167] : memref<10000x128xf32, #tpu.memory_space<hbm>> -> memref<10000x128xf32, #tpu.memory_space<hbm>>
    tpu.wait_indirect_dma semaphore(%arg25 : memref<!tpu.dma_semaphore, #tpu.memory_space<semaphore_mem>>) src(%dma_wait3A_168 : memref<10000x128xf32, #tpu.memory_space<hbm>>) dst(%arg24 : memref<16x128xf32, #tpu.memory_space<vmem>>)
    %dma_wait3A_169 = arith.constant 1 : i32
    %dma_wait3A_170 = arith.constant 0 : i32
    %dma_wait3A_171 = tpu.memref_slice %arg3[%dma_wait3A_169, %dma_wait3A_170] : memref<2x320000xi32, #tpu.memory_space<hbm>> -> memref<1x16xi32, #tpu.memory_space<hbm>>
    %dma_wait3A_172 = tpu.memref_squeeze %dma_wait3A_171 : memref<1x16xi32, #tpu.memory_space<hbm>> -> memref<16xi32, #tpu.memory_space<hbm>>
    %dma_wait3A_173 = arith.constant 0 : i32
    %dma_wait3A_174 = tpu.memref_slice %arg3[%dma_wait3A_169, %dma_wait3A_173] : memref<2x320000xi32, #tpu.memory_space<hbm>> -> memref<1x16xi32, #tpu.memory_space<hbm>>
    %dma_wait3A_175 = tpu.memref_squeeze %dma_wait3A_174 : memref<1x16xi32, #tpu.memory_space<hbm>> -> memref<16xi32, #tpu.memory_space<hbm>>
    tpu.wait_dma2 semaphore(%arg26 : memref<!tpu.dma_semaphore, #tpu.memory_space<semaphore_mem>>) src(%dma_wait3A_175 : memref<16xi32, #tpu.memory_space<hbm>>) dst(%arg23 : memref<16xi32, #tpu.memory_space<vmem>>)
    "tpu.region"() ({
      %run_scoped3A_186 = tpu.sem_alloc : memref<!tpu.dma_semaphore, #tpu.memory_space<semaphore_mem>>
      %dma_start3A_187 = arith.constant 0 : i32
      %dma_start3A_188 = arith.constant 0 : i32
      %dma_start3A_189 = tpu.memref_slice %arg14[%dma_start3A_187, %dma_start3A_188] : memref<10000x128xf32, #tpu.memory_space<vmem_shared>> -> memref<10000x128xf32, #tpu.memory_space<vmem_shared>>
      tpu.enqueue_indirect_dma source(%arg24 : memref<16x128xf32, #tpu.memory_space<vmem>>) target(%dma_start3A_189 : memref<10000x128xf32, #tpu.memory_space<vmem_shared>>) offsets(%arg23 : memref<16xi32, #tpu.memory_space<vmem>>) semaphore(%run_scoped3A_186 : memref<!tpu.dma_semaphore, #tpu.memory_space<semaphore_mem>>) {add = true}
      %dma_wait3A_190 = arith.constant 0 : i32
      %dma_wait3A_191 = arith.constant 0 : i32
      %dma_wait3A_192 = tpu.memref_slice %arg14[%dma_wait3A_190, %dma_wait3A_191] : memref<10000x128xf32, #tpu.memory_space<vmem_shared>> -> memref<10000x128xf32, #tpu.memory_space<vmem_shared>>
      tpu.wait_indirect_dma semaphore(%run_scoped3A_186 : memref<!tpu.dma_semaphore, #tpu.memory_space<semaphore_mem>>) src(%arg24 : memref<16x128xf32, #tpu.memory_space<vmem>>) dst(%dma_wait3A_192 : memref<10000x128xf32, #tpu.memory_space<vmem_shared>>)
      tpu.yield
    }) : () -> ()
    %barrier3A_176 = arith.constant 0 : index
    tpu.barrier barrier_id(%barrier3A_176)
    %mul3A_177 = arith.constant 624 : i32
    %mul3A_178 = arith.muli %arg1, %mul3A_177 : i32
    %mul3A_179 = arith.constant 624 : i32
    %mul3A_180 = arith.muli %arg1, %mul3A_179 : i32
    "tpu.region"() ({
      %run_scoped3A_186 = tpu.sem_alloc : memref<!tpu.dma_semaphore, #tpu.memory_space<semaphore_mem>>
      %dma_start3A_187 = arith.constant 0 : i32
      %dma_start3A_188 = tpu.memref_slice %arg4[%arg0, %mul3A_180, %dma_start3A_187] : memref<2x10000x128xf32, #tpu.memory_space<hbm>> -> memref<1x624x128xf32, #tpu.memory_space<hbm>>
      %dma_start3A_189 = tpu.memref_squeeze %dma_start3A_188 : memref<1x624x128xf32, #tpu.memory_space<hbm>> -> memref<624x128xf32, #tpu.memory_space<hbm>>
      %dma_start3A_190 = arith.constant 0 : i32
      %dma_start3A_191 = tpu.memref_slice %arg14[%mul3A_178, %dma_start3A_190] : memref<10000x128xf32, #tpu.memory_space<vmem_shared>> -> memref<624x128xf32, #tpu.memory_space<vmem_shared>>
      tpu.enqueue_dma source(%dma_start3A_191 : memref<624x128xf32, #tpu.memory_space<vmem_shared>>) target(%dma_start3A_189 : memref<624x128xf32, #tpu.memory_space<hbm>>) target_semaphore(%run_scoped3A_186 : memref<!tpu.dma_semaphore, #tpu.memory_space<semaphore_mem>>)
      %dma_wait3A_192 = arith.constant 0 : i32
      %dma_wait3A_193 = tpu.memref_slice %arg4[%arg0, %mul3A_180, %dma_wait3A_192] : memref<2x10000x128xf32, #tpu.memory_space<hbm>> -> memref<1x624x128xf32, #tpu.memory_space<hbm>>
      %dma_wait3A_194 = tpu.memref_squeeze %dma_wait3A_193 : memref<1x624x128xf32, #tpu.memory_space<hbm>> -> memref<624x128xf32, #tpu.memory_space<hbm>>
      %dma_wait3A_195 = arith.constant 0 : i32
      %dma_wait3A_196 = tpu.memref_slice %arg14[%mul3A_178, %dma_wait3A_195] : memref<10000x128xf32, #tpu.memory_space<vmem_shared>> -> memref<624x128xf32, #tpu.memory_space<vmem_shared>>
      tpu.wait_dma2 semaphore(%run_scoped3A_186 : memref<!tpu.dma_semaphore, #tpu.memory_space<semaphore_mem>>) src(%dma_wait3A_196 : memref<624x128xf32, #tpu.memory_space<vmem_shared>>) dst(%dma_wait3A_194 : memref<624x128xf32, #tpu.memory_space<hbm>>)
      tpu.yield
    }) : () -> ()
    %eq3A_181 = arith.constant 15 : i32
    %eq3A_182 = arith.cmpi eq, %arg1, %eq3A_181 : i32
    %convert_element_type3A_183 = arith.extui %eq3A_182 : i1 to i32
    %cond3A_184 = arith.constant 0 : i32
    %cond3A_185 = arith.cmpi ne, %convert_element_type3A_183, %cond3A_184 : i32
    scf.if %cond3A_185 {
      "tpu.region"() ({
        %run_scoped3A_186 = tpu.sem_alloc : memref<!tpu.dma_semaphore, #tpu.memory_space<semaphore_mem>>
        %dma_start3A_187 = arith.constant 9984 : i32
        %dma_start3A_188 = arith.constant 0 : i32
        %dma_start3A_189 = tpu.memref_slice %arg4[%arg0, %dma_start3A_187, %dma_start3A_188] : memref<2x10000x128xf32, #tpu.memory_space<hbm>> -> memref<1x16x128xf32, #tpu.memory_space<hbm>>
        %dma_start3A_190 = tpu.memref_squeeze %dma_start3A_189 : memref<1x16x128xf32, #tpu.memory_space<hbm>> -> memref<16x128xf32, #tpu.memory_space<hbm>>
        %dma_start3A_191 = arith.constant 9984 : i32
        %dma_start3A_192 = arith.constant 0 : i32
        %dma_start3A_193 = tpu.memref_slice %arg14[%dma_start3A_191, %dma_start3A_192] : memref<10000x128xf32, #tpu.memory_space<vmem_shared>> -> memref<16x128xf32, #tpu.memory_space<vmem_shared>>
        tpu.enqueue_dma source(%dma_start3A_193 : memref<16x128xf32, #tpu.memory_space<vmem_shared>>) target(%dma_start3A_190 : memref<16x128xf32, #tpu.memory_space<hbm>>) target_semaphore(%run_scoped3A_186 : memref<!tpu.dma_semaphore, #tpu.memory_space<semaphore_mem>>)
        %dma_wait3A_194 = arith.constant 9984 : i32
        %dma_wait3A_195 = arith.constant 0 : i32
        %dma_wait3A_196 = tpu.memref_slice %arg4[%arg0, %dma_wait3A_194, %dma_wait3A_195] : memref<2x10000x128xf32, #tpu.memory_space<hbm>> -> memref<1x16x128xf32, #tpu.memory_space<hbm>>
        %dma_wait3A_197 = tpu.memref_squeeze %dma_wait3A_196 : memref<1x16x128xf32, #tpu.memory_space<hbm>> -> memref<16x128xf32, #tpu.memory_space<hbm>>
        %dma_wait3A_198 = arith.constant 9984 : i32
        %dma_wait3A_199 = arith.constant 0 : i32
        %dma_wait3A_200 = tpu.memref_slice %arg14[%dma_wait3A_198, %dma_wait3A_199] : memref<10000x128xf32, #tpu.memory_space<vmem_shared>> -> memref<16x128xf32, #tpu.memory_space<vmem_shared>>
        tpu.wait_dma2 semaphore(%run_scoped3A_186 : memref<!tpu.dma_semaphore, #tpu.memory_space<semaphore_mem>>) src(%dma_wait3A_200 : memref<16x128xf32, #tpu.memory_space<vmem_shared>>) dst(%dma_wait3A_197 : memref<16x128xf32, #tpu.memory_space<hbm>>)
        tpu.yield
      }) : () -> ()
    } else {
    }
    return
  }
}

module attributes {stable_mosaic.version = 14 : i64} {
  func.func @_mlp_kernel(%arg0: i32, %arg1: memref<2000x128xf32, #tpu.memory_space<vmem>>, %arg2: memref<2x2000x128xf32, #tpu.memory_space<vmem>>, %arg3: memref<128x128xf32, #tpu.memory_space<vmem>>, %arg4: memref<1x128xf32, #tpu.memory_space<vmem>>, %arg5: memref<128x128xf32, #tpu.memory_space<vmem>>, %arg6: memref<1x128xf32, #tpu.memory_space<vmem>>, %arg7: memref<2000x128xf32, #tpu.memory_space<vmem>>) attributes {dimension_semantics = [#tpu.dimension_semantics<arbitrary>], iteration_bounds = array<i64: 5>, scalar_prefetch = 0 : i64, scratch_operands = 0 : i64, tpu.core_type = #tpu.core_type<tc>, window_params = [{transform_indices = @transform_0, window_bounds = array<i64: 2000, 128>}, {transform_indices = @transform_1, window_bounds = array<i64: 2, 2000, 128>}, {pipeline_mode = #tpu.pipeline_mode<synchronous>, transform_indices = @transform_2, window_bounds = array<i64: 128, 128>}, {pipeline_mode = #tpu.pipeline_mode<synchronous>, transform_indices = @transform_3, window_bounds = array<i64: 1, 128>}, {pipeline_mode = #tpu.pipeline_mode<synchronous>, transform_indices = @transform_4, window_bounds = array<i64: 128, 128>}, {pipeline_mode = #tpu.pipeline_mode<synchronous>, transform_indices = @transform_5, window_bounds = array<i64: 1, 128>}, {transform_indices = @transform_6, window_bounds = array<i64: 2000, 128>}]} {
    %get3A = arith.constant 0 : index
    %get3A_0 = arith.constant 0 : index
    %get3A_1 = vector.load %arg1[%get3A, %get3A_0] : memref<2000x128xf32, #tpu.memory_space<vmem>>, vector<2000x128xf32>
    %get3A_2 = arith.constant 0 : index
    %get3A_3 = arith.constant 0 : index
    %get3A_4 = arith.constant 0 : index
    %get3A_5 = vector.load %arg2[%get3A_2, %get3A_3, %get3A_4] : memref<2x2000x128xf32, #tpu.memory_space<vmem>>, vector<1x2000x128xf32>
    %get3A_6 = vector.shape_cast %get3A_5 : vector<1x2000x128xf32> to vector<2000x128xf32>
    %add3A = arith.addf %get3A_1, %get3A_6 : vector<2000x128xf32>
    %get3A_7 = arith.constant 1 : index
    %get3A_8 = arith.constant 0 : index
    %get3A_9 = arith.constant 0 : index
    %get3A_10 = vector.load %arg2[%get3A_7, %get3A_8, %get3A_9] : memref<2x2000x128xf32, #tpu.memory_space<vmem>>, vector<1x2000x128xf32>
    %get3A_11 = vector.shape_cast %get3A_10 : vector<1x2000x128xf32> to vector<2000x128xf32>
    %add3A_12 = arith.addf %add3A, %get3A_11 : vector<2000x128xf32>
    %get3A_13 = arith.constant 0 : index
    %get3A_14 = arith.constant 0 : index
    %get3A_15 = vector.load %arg3[%get3A_13, %get3A_14] : memref<128x128xf32, #tpu.memory_space<vmem>>, vector<128x128xf32>
    %dot_general3A = arith.constant dense<0.000000e+00> : vector<2000x128xf32>
    %dot_general3A_16 = tpu.matmul %add3A_12, %get3A_15, %dot_general3A {dimension_numbers = #tpu.dot_dimension_numbers<[1], [1], [0], [0], [0, 0, 1, 0], [], []>, precision = #tpu.contract_precision<fp32>, transpose_lhs_hint = false} : vector<2000x128xf32>, vector<128x128xf32>, vector<2000x128xf32> -> vector<2000x128xf32>
    %get3A_17 = arith.constant 0 : index
    %get3A_18 = arith.constant 0 : index
    %get3A_19 = vector.load %arg4[%get3A_17, %get3A_18] : memref<1x128xf32, #tpu.memory_space<vmem>>, vector<1x128xf32>
    %add3A_20 = vector.broadcast %get3A_19 : vector<1x128xf32> to vector<2000x128xf32>
    %add3A_21 = arith.addf %dot_general3A_16, %add3A_20 : vector<2000x128xf32>
    %max3A = arith.constant 0.000000e+00 : f32
    %max3A_22 = vector.broadcast %max3A : f32 to vector<2000x128xf32>
    %max3A_23 = arith.maximumf %add3A_21, %max3A_22 : vector<2000x128xf32>
    %get3A_24 = arith.constant 0 : index
    %get3A_25 = arith.constant 0 : index
    %get3A_26 = vector.load %arg5[%get3A_24, %get3A_25] : memref<128x128xf32, #tpu.memory_space<vmem>>, vector<128x128xf32>
    %dot_general3A_27 = arith.constant dense<0.000000e+00> : vector<2000x128xf32>
    %dot_general3A_28 = tpu.matmul %max3A_23, %get3A_26, %dot_general3A_27 {dimension_numbers = #tpu.dot_dimension_numbers<[1], [1], [0], [0], [0, 0, 1, 0], [], []>, precision = #tpu.contract_precision<fp32>, transpose_lhs_hint = false} : vector<2000x128xf32>, vector<128x128xf32>, vector<2000x128xf32> -> vector<2000x128xf32>
    %get3A_29 = arith.constant 0 : index
    %get3A_30 = arith.constant 0 : index
    %get3A_31 = vector.load %arg6[%get3A_29, %get3A_30] : memref<1x128xf32, #tpu.memory_space<vmem>>, vector<1x128xf32>
    %add3A_32 = vector.broadcast %get3A_31 : vector<1x128xf32> to vector<2000x128xf32>
    %add3A_33 = arith.addf %dot_general3A_28, %add3A_32 : vector<2000x128xf32>
    %swap3A = arith.constant 0 : index
    %swap3A_34 = arith.constant 0 : index
    %swap3A_35 = vector.load %arg7[%swap3A, %swap3A_34] : memref<2000x128xf32, #tpu.memory_space<vmem>>, vector<2000x128xf32>
    tpu.vector_store %arg7[%swap3A, %swap3A_34], %add3A_33 {strides = array<i32>} : memref<2000x128xf32, #tpu.memory_space<vmem>>, vector<2000x128xf32>,
    return
  }
  func.func @transform_0(%arg0: i32) -> (i32, i32) {
    %c0_i32 = arith.constant 0 : i32
    %c0_i32_0 = arith.constant 0 : i32
    return %arg0, %c0_i32 : i32, i32
  }
  func.func @transform_1(%arg0: i32) -> (i32, i32, i32) {
    %c0_i32 = arith.constant 0 : i32
    %c0_i32_0 = arith.constant 0 : i32
    %c0_i32_1 = arith.constant 0 : i32
    return %c0_i32, %arg0, %c0_i32_0 : i32, i32, i32
  }
  func.func @transform_2(%arg0: i32) -> (i32, i32) {
    %c0_i32 = arith.constant 0 : i32
    %c0_i32_0 = arith.constant 0 : i32
    %c0_i32_1 = arith.constant 0 : i32
    return %c0_i32, %c0_i32_0 : i32, i32
  }
  func.func @transform_3(%arg0: i32) -> (i32, i32) {
    %c0_i32 = arith.constant 0 : i32
    %c0_i32_0 = arith.constant 0 : i32
    %c0_i32_1 = arith.constant 0 : i32
    return %c0_i32, %c0_i32_0 : i32, i32
  }
  func.func @transform_4(%arg0: i32) -> (i32, i32) {
    %c0_i32 = arith.constant 0 : i32
    %c0_i32_0 = arith.constant 0 : i32
    %c0_i32_1 = arith.constant 0 : i32
    return %c0_i32, %c0_i32_0 : i32, i32
  }
  func.func @transform_5(%arg0: i32) -> (i32, i32) {
    %c0_i32 = arith.constant 0 : i32
    %c0_i32_0 = arith.constant 0 : i32
    %c0_i32_1 = arith.constant 0 : i32
    return %c0_i32, %c0_i32_0 : i32, i32
  }
  func.func @transform_6(%arg0: i32) -> (i32, i32) {
    %c0_i32 = arith.constant 0 : i32
    %c0_i32_0 = arith.constant 0 : i32
    return %arg0, %c0_i32 : i32, i32
  }
}

</mosaic_0001>

<sc_bundles>
// kernel: kernel.4.cloned.1.call-start
scs
__scs_entry_jumppad:
0x0: {  	(pc) =	sbr.rel $0x88, $3  }
0x1: {  	(tag) =	ssettag $0x0;
	lr =	simm.s32 $0x1  }
0x2: {  	[smem:$0x3F9B] =	sst lr;
	_ =	strace $0xD0000000  }
0x3: {  	_ = 	snop  }
0x4: {  	_ = 	snop  }
0x5: {  	_ = 	snop  }
0x6: {  	_ = 	snop  }
0x7: {  	_ = 	snop  }
__scs_overlays_trampoline_lowered:
0x8: {  	[smem:$0x3FAA] =	sst s0  }
0x9: {  	[smem:$0x3FAB] =	sst s1  }
0xa: {  	[smem:$0x3FAC] =	sst s2  }
0xb: {  	[smem:$0x3FAD] =	sst s3  }
0xc: {  	[smem:$0x3FAE] =	sst s4  }
0xd: {  	[smem:$0x3FAF] =	sst s5  }
0xe: {  	[smem:$0x3FB0] =	sst s6  }
0xf: {  	[smem:$0x3FB1] =	sst s7  }
0x10: {  	[smem:$0x3FB2] =	sst s8  }
0x11: {  	[smem:$0x3FB3] =	sst s9;
	s0 =	simm.s32 @!p0 $0x0  }
0x12: {  	s1 =	sld [smem:$0x3F99];
	s0 =	simm.s32 @p0 $0x1  }
0x13: {  	[smem:$0x3FB4] =	sst s0;
	s0 =	simm.s32 @!p1 $0x0  }
0x14: {  	s2 =	sld [smem:$0x3F98];
	s0 =	simm.s32 @p1 $0x1  }
0x15: {  	[smem:$0x3FB5] =	sst s0;
	s0 =	simm.s32 @!p2 $0x0  }
0x16: {  	s3 =	sld [smem:$0x3FDB];
	s0 =	simm.s32 @p2 $0x1  }
0x17: {  	s4 =	simm.s32 $0x1BF5;
	[smem:$0x3FB7] =	sst s0  }
0x18: {  	s0 =	sld [smem:$0x3F9A];
	_ =	swait.ge [sflag:s4], $0x0  }
0x19: {  	s7 =	sld [smem:$0x3F9B]  }
0x1a: {  	s8 =	sadd.s32 $0xFFFFE003, lr  }
0x1b: {  	s9 =	sadd.s32 $0xFFFFFEF7, lr;
	s5 =	simm.s32 $0xFFFFFFFF;
	p2 =	slt.u32 s8, $0xFFFFF086  }
0x1c: {  	p1 =	slt.u32 s9, $0xF7A;
	s5 =	simm.s32 @!p2 $0x0  }
0x1d: {  	s5 =	simm.s32 @p1 $0x1;
	p0 =	seq.s32 s7, s2  }
0x1e: {  	s7 =	smul.u32 @!p0 $0xF7A, s2;
	p2 =	seq.s32 @!p0 s5, $0x0  }
0x1f: {  	s9 =	smul.u32 $0xF7A, s1;
	s8 =	simm.s32 @!p0 $0x1BF5;
	p2 =	por !p2, p0  }
0x20: {  	[sflag:s8] =	ssyncset.s32 @!p0 $0xFFFFF086;
	s6 =	sadd.s32 @!p0 s3, s7;
	s7 =	simm.s32 @!p0 $0x108  }
0x21: {  	s3 =	sadd.s32 s3, s9;
	s6 =	sadd.s32 @!p0 $0x88, s6;
	s7 =	simm.s32 @p2 $0x1082  }
0x22: {  	[simem:s7], [sflag:s8] =	dma.local @!p0 [hbm:s6], $0xF7A  }
0x23: {  	s9 =	sor.u32 $0xD0000000, s2;
	s6 =	simm.s32 $0x108;
	_ =	swait.ge @!p0 [sflag:s8], $0x0  }
0x24: {  	s3 =	sadd.s32 $0x88, s3;
	s6 =	simm.s32 @!p1 $0x1082;
	[sflag:s4] =	ssyncset.s32 $0xFFFFF086  }
0x25: {  	[simem:s6], [sflag:s4] =	dma.local [hbm:s3], $0xF7A  }
0x26: {  	[smem:$0x3F9B] =	sst s1;
	(tag) =	ssettag s2;
	_ =	strace s9  }
0x27: {  	s1 =	sld [smem:$0x3FAB]  }
0x28: {  	s2 =	sld [smem:$0x3FAC]  }
0x29: {  	s4 =	sld [smem:$0x3FAE]  }
0x2a: {  	p0 =	seq.s32 s5, $0x0;
	s5 =	sld [smem:$0x3FAF]  }
0x2b: {  	s6 =	sld [smem:$0x3FB0]  }
0x2c: {  	s7 =	sld [smem:$0x3FB1]  }
0x2d: {  	s3 =	simm.s32 $0x108;
	s8 =	sld [smem:$0x3FB2]  }
0x2e: {  	s3 =	simm.s32 @!p0 $0x1082;
	s9 =	sld [smem:$0x3FB3]  }
0x2f: {  	lr =	sadd.s32 s0, s3;
	s0 =	sld [smem:$0x3FAA]  }
0x30: {  	s3 =	sld [smem:$0x3FAD]  }
0x31: {  	[smem:$0x3FB6] =	sst s10  }
0x32: {  	s10 =	sld [smem:$0x3FB4];
	_ =	sdelay $0x3  }
0x33: {  	p0 =	seq.s32 s10, $0x1;
	s10 =	sld [smem:$0x3FB6];
	_ =	sdelay $0x3  }
0x34: {  	[smem:$0x3FB6] =	sst s10  }
0x35: {  	s10 =	sld [smem:$0x3FB5];
	_ =	sdelay $0x3  }
0x36: {  	p1 =	seq.s32 s10, $0x1;
	s10 =	sld [smem:$0x3FB6];
	_ =	sdelay $0x3  }
0x37: {  	[smem:$0x3FB6] =	sst s10  }
0x38: {  	s10 =	sld [smem:$0x3FB7]  }
0x39: {  	_ = 	snop;
	(pc) =	sbr.ind lr, $3  }
0x3a: {  	_ = 	snop  }
0x3b: {  	_ = 	snop  }
0x3c: {  	p2 =	seq.s32 s10, $0x1;
	s10 =	sld [smem:$0x3FB6]  }
0x3d: {  	_ =	shalt  }
0x3e: {  	_ =	shalt  }
0x3f: {  	_ =	shalt  }
0x40: {  	_ =	shalt  }
0x41: {  	_ =	shalt  }
0x42: {  	_ =	shalt  }
0x43: {  	_ =	shalt  }
0x44: {  	_ =	shalt  }
0x45: {  	_ =	shalt  }
0x46: {  	_ =	shalt  }
0x47: {  	_ =	shalt  }
0x48: {  	_ =	shalt  }
0x49: {  	_ =	shalt  }
0x4a: {  	_ =	shalt  }
0x4b: {  	_ =	shalt  }
0x4c: {  	_ =	shalt  }
0x4d: {  	_ =	shalt  }
0x4e: {  	_ =	shalt  }
0x4f: {  	_ =	shalt  }
0x50: {  	_ =	shalt  }
0x51: {  	_ =	shalt  }
0x52: {  	_ =	shalt  }
0x53: {  	_ =	shalt  }
0x54: {  	_ =	shalt  }
0x55: {  	_ =	shalt  }
0x56: {  	_ =	shalt  }
0x57: {  	_ =	shalt  }
0x58: {  	_ =	shalt  }
0x59: {  	_ =	shalt  }
0x5a: {  	_ =	shalt  }
0x5b: {  	_ =	shalt  }
0x5c: {  	_ =	shalt  }
0x5d: {  	_ =	shalt  }
0x5e: {  	_ =	shalt  }
0x5f: {  	_ =	shalt  }
0x60: {  	_ =	shalt  }
0x61: {  	_ =	shalt  }
0x62: {  	_ =	shalt  }
0x63: {  	_ =	shalt  }
0x64: {  	_ =	shalt  }
0x65: {  	_ =	shalt  }
0x66: {  	_ =	shalt  }
0x67: {  	_ =	shalt  }
0x68: {  	_ =	shalt  }
0x69: {  	_ =	shalt  }
0x6a: {  	_ =	shalt  }
0x6b: {  	_ =	shalt  }
0x6c: {  	_ =	shalt  }
0x6d: {  	_ =	shalt  }
0x6e: {  	_ =	shalt  }
0x6f: {  	_ =	shalt  }
0x70: {  	_ =	shalt  }
0x71: {  	_ =	shalt  }
0x72: {  	_ =	shalt  }
0x73: {  	_ =	shalt  }
0x74: {  	_ =	shalt  }
0x75: {  	_ =	shalt  }
0x76: {  	_ =	shalt  }
0x77: {  	_ =	shalt  }
0x78: {  	_ =	shalt  }
0x79: {  	_ =	shalt  }
0x7a: {  	_ =	shalt  }
0x7b: {  	_ =	shalt  }
0x7c: {  	_ =	shalt  }
0x7d: {  	_ =	shalt  }
0x7e: {  	_ =	shalt  }
0x7f: {  	_ =	shalt  }
0x80: {  	_ =	shalt  }
0x81: {  	_ =	shalt  }
0x82: {  	_ =	shalt  }
0x83: {  	_ =	shalt  }
0x84: {  	_ =	shalt  }
0x85: {  	_ =	shalt  }
0x86: {  	_ =	shalt  }
0x87: {  	_ =	shalt  }
.Lfunc_end0:
.L_simem_size_0:
called_computation_lowered:
.L_overlay_start_0:
0x88: {  	s2 =	sld [smem:$0x3FD9]  }
0x89: {  	s3 =	sld [smem:$0x3FFE];
	_ =	sdelay $0x1  }
0x8a: {  	s1 =	srdreg.scid  }
0x8b: {  	s0 =	sand.u32 $0x1, s1  }
0x8c: {  	s17 =	sshll.u32 s0, $0xA;
	s2 =	sadd.s32 s3, s2  }
0x8d: {  	s2 =	sadd.s32 s2, s17  }
0x8e: {  	[smem:$0x3FC2] =	sst s2  }
0x8f: {  	_ = 	snop  }
0x90: {  	s2 =	sld [smem:$0x3FC9]  }
0x91: {  	s18 =	sld [smem:$0x3FD0];
	(tm) =	ssettm $0x1  }
0x92: {  	s4 =	sld [smem:$0x3FFB];
	_ =	sdelay $0x3  }
0x93: {  	_ =	strace s4  }
0x94: {  	s4 =	sld [smem:$0x3FFC];
	_ =	sdelay $0x3  }
0x95: {  	_ =	strace s4  }
0x96: {  	s4 =	sld [smem:$0x3FFD];
	_ =	sdelay $0x3  }
0x97: {  	_ =	strace s4  }
0x98: {  	_ =	strace $0x8FFFFFFF  }
0x99: {  	s19 =	sld [smem:$0x3FDB];
	_ =	sdelay $0x1  }
0x9a: {  	s5 =	simm.s32 $_scs_section_size  }
0x9b: {  	s6 =	simm.s32 $_size__tile_overlayer_lowered;
	s7 =	simm.s32 $_tile_overlayer_lowered  }
0x9c: {  	s22 =	simm.s32 $0x1BFF;
	s21 =	sshll.u32 s7, $0x1;
	s4 =	sadd.s32 s5, s19  }
0x9d: {  	s8 =	simm.s32 $0x0;
	s20 =	sshll.u32 s6, $0x1;
	s6 =	sadd.s32 s21, s4  }
0x9e: {  	[timem:s8], [sflag:s22] =	dma.local [hbm:s6], s20  }
0x9f: {  	_ =	swait.ge [sflag:s22], s20  }
0xa0: {  	s5 =	ssub.s32 $0x0, s20;
	[sflag:s22] =	ssyncset.done $0x0  }
0xa1: {  	[sflag:s22] =	ssyncadd.s32 s5;
	_ =	sdelay $0x1  }
0xa2: {  	s23 =	simm.s32 $0x1B8B  }
0xa3: {  	_ =	swait.ge [sflag:s23], $0x1  }
0xa4: {  	[sflag:s23] =	ssyncset.done $0x0  }
0xa5: {  	s25 =	simm.s32 $0x1B8E;
	s24 =	sld [smem:$0x3FFE];
	[sflag:s23] =	ssyncadd.s32 $0xFFFFFFFF  }
0xa6: {  	s26 =	simm.s32 $execute0_lowered;
	[smem:$0x3FD2] =	sst s25  }
0xa7: {  	s6 =	sshll.u32 s26, $0x1;
	_ =	strace $0x80000046;
	[dreg:$0x1] =	wrdreg $0xFFFFFFFF  }
0xa8: {  	s28 =	simm.s32 $_size_execute0_lowered;
	s4 =	sadd.s32 s4, s6;
	[dreg:$0x0] =	wrdreg $0x0  }
0xa9: {  	s6 =	sshll.u32 s28, $0x1;
	[dreg:$0x2] =	wrdreg s4  }
0xaa: {  	[dreg:$0x3] =	wrdreg s6  }
0xab: {  	[dreg:$0x4] =	wrdreg $0xC0  }
0xac: {  	_ =	task [dreg:s8], $0x5FFFF  }
0xad: {  	[dreg:$0x1] =	wrdreg $0xFFFFFFFF  }
0xae: {  	[dreg:$0x0] =	wrdreg $0x60  }
0xaf: {  	[dreg:$0x2] =	wrdreg s2  }
0xb0: {  	[dreg:$0x3] =	wrdreg s18  }
0xb1: {  	[dreg:$0x4] =	wrdreg s24  }
0xb2: {  	[dreg:$0x5] =	wrdreg $0xA8100  }
0xb3: {  	[dreg:$0x6] =	wrdreg $0x9  }
0xb4: {  	_ =	task.clear_ibuf [dreg:s8], $0x7FFFF;
	_ =	strace $0x90000046  }
0xb5: {  	s29 =	simm.s32 $0x9;
	_ =	strace $0x80000048  }
0xb6: {  	_ =	swait.ge [sflag:s29], $0x1  }
0xb7: {  	[sflag:s29] =	ssyncadd.s32 $0xFFFFFFFF  }
0xb8: {  	_ =	strace $0x90000048  }
0xb9: {  	_ =	sfence  }
0xba: {  	s30 =	sld [smem:$0x0];
	_ =	sdelay $0x2  }
0xbb: {  	s31 =	sshll.u32 s1, $0xD;
	s1 =	sshrl.u32 s1, $0x2  }
0xbc: {  	s3 =	sand.u32 $0x4000, s31;
	s1 =	sadd.s32 s1, s30  }
0xbd: {  	s0 =	sor.u32 s3, s0;
	s1 =	sshll.u32 s1, $0x11  }
0xbe: {  	s0 =	sor.u32 s1, s0  }
0xbf: {  	s0 =	sadd.s32 $0x8F2B, s0  }
0xc0: {  	[sflag:s0] =	ssyncadd.remote.s32 $0x1  }
0xc1: {  	_ =	sfence.sel $0xFFFF  }
0xc2: {  	[dreg:$0x0] =	wrdreg $0xFFFFFFFF;
	(pc) =	sbr.abs _section_cstart, $3  }
0xc3: {  	[dreg:$0x1] =	wrdreg $0xFFFFFFFF  }
0xc4: {  	_ =	task.clear_ibuf [dreg:s8], $0x2FFFF;
	_ =	strace $0x9FFFFFFF  }
0xc5: {  	(tm) =	ssettm $0x7FFFFFFF  }
tec
execute0_lowered:
.L_overlay_start_1:
0x0: {  	(tag) =	ssettag $0x1  }
0x1: {  	s1 =	rddreg [dreg:$0x0]  }
0x2: {  	s0 =	rddreg [dreg:$0x1]  }
0x3: {  	s3 =	rddreg [dreg:$0x2]  }
0x4: {  	s2 =	rddreg [dreg:$0x3];
	s5 =	srdreg.scid;
	s4 =	simm.s32 $0x0  }
0x5: {  	s12 =	stileid.u32;
	s28 =	simm.s32 $0x40;
	s29 =	simm.s32 $0x2710  }
0x6: {  	s30 =	simm.s32 $0x4810;
	s31 =	simm.s32 $0x2750;
	s7 =	smul.u32 $0x4E000, s12  }
0x7: {  	s5 =	sand.u32 $0x1, s5;
	[smem:$0x7FF] =	sst s4;
	s10 =	smul.u32 $0x13800, s12  }
0x8: {  	s3 =	sadd.s32 $0x1600, s3;
	s26 =	smul.u32 $0x2710, s12;
	s16 =	sadd.s32 $0x138000, s2  }
0x9: {  	p0 =	sne.s32 s12, $0xF;
	s6 =	sshll.u32 s5, $0x4;
	_ =	strace $0x80000047  }
0xa: {  	s8 =	ssub.s32 $0x2, s5;
	s22 =	smul.u32 $0x138800, s5;
	s7 =	sshrl.u32 s7, $0x2  }
0xb: {  	s5 =	smul.u32 $0x27100, s5;
	s6 =	sor.u32 s12, s6;
	s7 =	sadd.s32 s7, s2  }
0xc: {  	s9 =	sshrl.u32 s8, $0x1;
	s12 =	simm.s32 $0x6;
	s19 =	sadd.s32 $0x2000, s7  }
0xd: {  	s6 =	smul.u32 $0x2710, s6;
	s20 =	sadd.s32 $0x4000, s7;
	[dreg:$0xa] =	wrdreg s19  }
0xe: {  	s8 =	ssub.s32 s8, s9;
	s21 =	sadd.s32 $0x6000, s7;
	[dreg:$0xb] =	wrdreg s20  }
0xf: {  	s5 =	sadd.s32 s26, s5;
	s11 =	sadd.s32 $0x8000, s7;
	[dreg:$0xc] =	wrdreg s21  }
0x10: {  	s9 =	sshrl.u32 s22, $0x3;
	s23 =	sadd.s32 $0xA000, s7;
	[dreg:$0xd] =	wrdreg s11  }
0x11: {  	s24 =	sadd.s32 $0xC000, s7;
	s25 =	sadd.s32 $0xE000, s7;
	[dreg:$0xe] =	wrdreg s23  }
0x12: {  	s14 =	sadd.s32 $0x10000, s7;
	s7 =	sadd.s32 $0x12000, s7;
	[dreg:$0xf] =	wrdreg s24  }
0x13: {  	s15 =	sadd.s32 $0x4E340, s5;
	s17 =	sadd.s32 $0x4E300, s5;
	[dreg:$0x10] =	wrdreg s25  }
0x14: {  	s26 =	smax.u32 s8, $0x1;
	s8 =	simm.s32 $0x27D0;
	[dreg:$0x11] =	wrdreg s14  }
0x15: {  	s6 =	sshrl.u32 s6, $0x3;
	[dreg:$0x12] =	wrdreg s7;
	s18 =	sshrl.u32 s17, $0x3  }
0x16: {  	s20 =	sadd.s32 $0x4E2C0, s5;
	s5 =	sadd.s32 $0x4E380, s5;
	[dreg:$0x1a] =	wrdreg s26  }
0x17: {  	s26 =	simm.s32 $0x2810;
	s11 =	simm.s32 $0x2;
	s17 =	simm.s32 $0x8  }
0x18: {  	s13 =	sadd.s32 s0, s6;
	s6 =	sadd.s32 s10, s2;
	s19 =	sadd.s32 s18, s0  }
0x19: {  	s10 =	sadd.s32 s10, s22;
	s22 =	sshrl.u32 s20, $0x3;
	[dreg:$0x6] =	wrdreg s19  }
0x1a: {  	s5 =	sshrl.u32 s5, $0x3;
	s14 =	sadd.s32 $0x9C40, s13;
	[dreg:$0x9] =	wrdreg s13  }
0x1b: {  	s7 =	sshrl.u32 s10, $0x3;
	s21 =	sadd.s32 $0x9C48, s13;
	[dreg:$0x13] =	wrdreg s14  }
0x1c: {  	s23 =	sadd.s32 $0x9C50, s13;
	s24 =	sadd.s32 $0xA118, s13;
	[dreg:$0x15] =	wrdreg s21  }
0x1d: {  	s25 =	sadd.s32 $0xA120, s13;
	s10 =	simm.s32 $0x5;
	[dreg:$0x16] =	wrdreg s23  }
0x1e: {  	s13 =	simm.s32 $0x3;
	s7 =	sadd.s32 s3, s7;
	[dreg:$0x17] =	wrdreg s24  }
0x1f: {  	s3 =	sadd.s32 s3, s9;
	[dreg:$0x18] =	wrdreg s25;
	s25 =	simm.s32 $0xB  }
0x20: {  	s9 =	simm.s32 $0x1;
	s14 =	simm.s32 $0x7;
	s23 =	simm.s32 $0x0  }
0x21: {  	[dreg:$0x14] =	wrdreg s7;
	s7 =	sshrl.u32 s15, $0x3;
	s3 =	sadd.s32 $0x27000, s3  }
0x22: {  	s15 =	simm.s32 $0x4;
	s7 =	sadd.s32 s7, s0;
	[dreg:$0x19] =	wrdreg s3  }
0x23: {  	s3 =	simm.s32 $0x2790;
	[dreg:$0x5] =	wrdreg s7;
	s7 =	sadd.s32 s22, s0  }
0x24: {  	s0 =	sadd.s32 s5, s0;
	s22 =	simm.s32 $0xA;
	[dreg:$0x7] =	wrdreg s7  }
0x25: {  	v0 =	vimm.f32 $0.0e+00;
	[dreg:$0x8] =	wrdreg s0;
	s0 =	simm.s32 $0x6810;
	s7 =	simm.s32 $0x8810  }
.LBB2_1:
0x26: {  	s5 =	rddreg [dreg:$0x9]  }
0x27: {  	[tilespmem:s4], [sflag:$0xB] =	stream.linear.gather [hbm4b:s5+s4], $0x2710, $0x38;
	[tilespmem:$0x1E8A0] =	vst v63  }
0x28: {  	_ =	swait.ge [sflag:s25], $0x2710  }
0x29: {  	[sflag:s25] =	ssyncset.done $0x0  }
0x2a: {  	s18 =	simm.s32 $0x200;
	s5 =	simm.s32 $0x0;
	[sflag:s25] =	ssyncadd.s32 $0xFFFFD8F0  }
.LBB2_2:
0x2b: {  	p1 =	sne.s32 s18, $0x7E00;
	[tilespmem:s5+$0x2880] =	vst v0  }
0x2c: {  	[tilespmem:s5+$0x2810] =	vst v0  }
0x2d: {  	[tilespmem:s5+$0x2820] =	vst v0  }
.Ltmp0:
0x2e: {  	[tilespmem:s5+$0x2830] =	vst v0;
	(pc) =	sbr.rel @p1 .LBB2_2-.Ltmp0, $4  }
0x2f: {  	[tilespmem:s5+$0x2840] =	vst v0  }
0x30: {  	[tilespmem:s5+$0x2850] =	vst v0  }
0x31: {  	[tilespmem:s5+$0x2860] =	vst v0  }
0x32: {  	[tilespmem:s5+$0x2870] =	vst v0;
	s5 =	sshra.s32 s18, $0x2;
	s18 =	sadd.s32 $0x200, s18  }
0x33: {  	[tilespmem:s5+$0x2880] =	vst v0  }
0x34: {  	[tilespmem:s5+$0x2810] =	vst v0  }
0x35: {  	[tilespmem:s5+$0x2820] =	vst v0  }
0x36: {  	[tilespmem:s5+$0x2830] =	vst v0  }
0x37: {  	[tilespmem:s5+$0x2840] =	vst v0  }
0x38: {  	[tilespmem:s5+$0x2850] =	vst v0  }
0x39: {  	[tilespmem:s5+$0x2860] =	vst v0  }
0x3a: {  	[tilespmem:s5+$0x2870] =	vst v0  }
0x3b: {  	[spmem:s6] =	stream.linear.scatter [tilespmem:s26], [sflag:$0xB], $0x2000, $0x38;
	[tilespmem:$0x1E8A0] =	vst v63  }
0x3c: {  	_ =	swait.ge [sflag:s25], $0x2000  }
0x3d: {  	[sflag:s25] =	ssyncset.done $0x0  }
0x3e: {  	s20 =	rddreg [dreg:$0xa];
	[sflag:s25] =	ssyncadd.s32 $0xFFFFE000  }
0x3f: {  	[spmem:s20] =	stream.linear.scatter [tilespmem:s26], [sflag:$0xB], $0x2000, $0x38;
	[tilespmem:$0x1E8A0] =	vst v63  }
0x40: {  	_ =	swait.ge [sflag:s25], $0x2000  }
0x41: {  	[sflag:s25] =	ssyncset.done $0x0  }
0x42: {  	s21 =	rddreg [dreg:$0xb];
	[sflag:s25] =	ssyncadd.s32 $0xFFFFE000  }
0x43: {  	[spmem:s21] =	stream.linear.scatter [tilespmem:s26], [sflag:$0xB], $0x2000, $0x38;
	[tilespmem:$0x1E8A0] =	vst v63  }
0x44: {  	_ =	swait.ge [sflag:s25], $0x2000  }
0x45: {  	[sflag:s25] =	ssyncset.done $0x0  }
0x46: {  	s24 =	rddreg [dreg:$0xc];
	[sflag:s25] =	ssyncadd.s32 $0xFFFFE000  }
0x47: {  	[spmem:s24] =	stream.linear.scatter [tilespmem:s26], [sflag:$0xB], $0x2000, $0x38;
	[tilespmem:$0x1E8A0] =	vst v63  }
0x48: {  	_ =	swait.ge [sflag:s25], $0x2000  }
0x49: {  	[sflag:s25] =	ssyncset.done $0x0  }
0x4a: {  	s18 =	rddreg [dreg:$0xd];
	[sflag:s25] =	ssyncadd.s32 $0xFFFFE000  }
0x4b: {  	[spmem:s18] =	stream.linear.scatter [tilespmem:s26], [sflag:$0xB], $0x2000, $0x38;
	[tilespmem:$0x1E8A0] =	vst v63  }
0x4c: {  	_ =	swait.ge [sflag:s25], $0x2000  }
0x4d: {  	[sflag:s25] =	ssyncset.done $0x0  }
0x4e: {  	s19 =	rddreg [dreg:$0xe];
	[sflag:s25] =	ssyncadd.s32 $0xFFFFE000  }
0x4f: {  	[spmem:s19] =	stream.linear.scatter [tilespmem:s26], [sflag:$0xB], $0x2000, $0x38;
	[tilespmem:$0x1E8A0] =	vst v63  }
0x50: {  	_ =	swait.ge [sflag:s25], $0x2000  }
0x51: {  	[sflag:s25] =	ssyncset.done $0x0  }
0x52: {  	s20 =	rddreg [dreg:$0xf];
	[sflag:s25] =	ssyncadd.s32 $0xFFFFE000  }
0x53: {  	[spmem:s20] =	stream.linear.scatter [tilespmem:s26], [sflag:$0xB], $0x2000, $0x38;
	[tilespmem:$0x1E8A0] =	vst v63  }
0x54: {  	_ =	swait.ge [sflag:s25], $0x2000  }
0x55: {  	[sflag:s25] =	ssyncset.done $0x0  }
0x56: {  	s21 =	rddreg [dreg:$0x10];
	[sflag:s25] =	ssyncadd.s32 $0xFFFFE000  }
0x57: {  	[spmem:s21] =	stream.linear.scatter [tilespmem:s26], [sflag:$0xB], $0x2000, $0x38;
	[tilespmem:$0x1E8A0] =	vst v63  }
0x58: {  	_ =	swait.ge [sflag:s25], $0x2000  }
0x59: {  	[sflag:s25] =	ssyncset.done $0x0  }
0x5a: {  	s24 =	rddreg [dreg:$0x11];
	[sflag:s25] =	ssyncadd.s32 $0xFFFFE000  }
0x5b: {  	[spmem:s24] =	stream.linear.scatter [tilespmem:s26], [sflag:$0xB], $0x2000, $0x38;
	[tilespmem:$0x1E8A0] =	vst v63  }
0x5c: {  	_ =	swait.ge [sflag:s25], $0x2000  }
0x5d: {  	[sflag:s25] =	ssyncset.done $0x0  }
0x5e: {  	s18 =	rddreg [dreg:$0x12];
	[sflag:s25] =	ssyncadd.s32 $0xFFFFE000  }
0x5f: {  	[spmem:s18] =	stream.linear.scatter [tilespmem:s26], [sflag:$0xB], $0x1800, $0x38;
	[tilespmem:$0x1E8A0] =	vst v63  }
0x60: {  	_ =	swait.ge [sflag:s25], $0x1800  }
0x61: {  	[sflag:s25] =	ssyncset.done $0x0  }
0x62: {  	s5 =	simm.s32 @!p0 $0x2810;
	[sflag:s25] =	ssyncadd.s32 $0xFFFFE800  }
0x63: {  	[spmem:s16] =	stream.linear.scatter @!p0 [tilespmem:s5], [sflag:$0xB], $0x800, $0x38;
	[tilespmem:$0x1E8A0] =	vst v63  }
0x64: {  	s5 =	simm.s32 @!p0 $0xB  }
0x65: {  	_ =	swait.ge @!p0 [sflag:s5], $0x800  }
0x66: {  	[sflag:s5] =	ssyncset.done @!p0 $0x0  }
0x67: {  	[sflag:s5] =	ssyncadd.s32 @!p0 $0xFFFFF800  }
0x68: {  	s19 =	simm.s32 $0x0;
	[bflag:$0x0] =	sbarrier.arrive $0xFFFF  }
0x69: {  	[tilespmem:s26], [sflag:$0x1] =	stream.indirect.gather [hbm4b:s1+s28], $0x80, s19, s28, $0xb8;
	[tilespmem:$0x1E8A0] =	vst v63  }
0x6a: {  	s18 =	rddreg [dreg:$0x13]  }
0x6b: {  	[tilespmem:s29], [sflag:$0x5] =	stream.linear.gather [hbm4b:s18+s19], $0x40, $0x38;
	[tilespmem:$0x1E8A0] =	vst v63  }
0x6c: {  	_ = 	snop  }
0x6d: {  	[tilespmem:s30], [sflag:$0x2] =	stream.indirect.gather [hbm4b:s1+s28], $0x80, s28, s28, $0xb8;
	[tilespmem:$0x1E8A0] =	vst v63  }
0x6e: {  	s20 =	rddreg [dreg:$0x15]  }
0x6f: {  	[tilespmem:s31], [sflag:$0x6] =	stream.linear.gather [hbm4b:s20+s19], $0x40, $0x38;
	[tilespmem:$0x1E8A0] =	vst v63  }
0x70: {  	s21 =	simm.s32 $0x80  }
0x71: {  	[tilespmem:s0], [sflag:$0x3] =	stream.indirect.gather [hbm4b:s1+s28], $0x80, s21, s28, $0xb8;
	[tilespmem:$0x1E8A0] =	vst v63  }
0x72: {  	s24 =	rddreg [dreg:$0x16]  }
0x73: {  	[tilespmem:s3], [sflag:$0x7] =	stream.linear.gather [hbm4b:s24+s19], $0x40, $0x38;
	[tilespmem:$0x1E8A0] =	vst v63  }
0x74: {  	s20 =	simm.s32 $0xC0;
	s19 =	rddreg [dreg:$0x7]  }
0x75: {  	[tilespmem:s7], [sflag:$0x4] =	stream.indirect.gather [hbm4b:s1+s28], $0x80, s20, s28, $0xb8;
	[tilespmem:$0x1E8A0] =	vst v63  }
0x76: {  	s5 =	sadd.s32 $0x0, s19  }
0x77: {  	[tilespmem:s8], [sflag:$0x8] =	stream.linear.gather [hbm4b:s5+s4], $0x40, $0x38;
	[tilespmem:$0x1E8A0] =	vst v63  }
0x78: {  	_ =	swait.ge [sflag:s9], $0x2000  }
0x79: {  	[sflag:s9] =	ssyncset.done $0x0  }
0x7a: {  	[sflag:s9] =	ssyncadd.s32 $0xFFFFE000  }
0x7b: {  	_ =	swait.ge [sflag:s10], $0x40  }
0x7c: {  	[sflag:s10] =	ssyncset.done $0x0  }
0x7d: {  	[sflag:s10] =	ssyncadd.s32 $0xFFFFFFC0  }
0x7e: {  	[spmem:s2] =	stream.indirect.scatter.add.f32 [tilespmem:s26], [sflag:$0xB], $0x80, s29, s28, $0xb8;
	[tilespmem:$0x1E8A0] =	vst v63  }
0x7f: {  	_ =	swait.ge [sflag:s25], $0x2000  }
0x80: {  	[sflag:s25] =	ssyncset.done $0x0  }
0x81: {  	s24 =	simm.s32 $0x100;
	s21 =	rddreg [dreg:$0x6];
	[sflag:s25] =	ssyncadd.s32 $0xFFFFE000  }
0x82: {  	[tilespmem:s26], [sflag:$0x1] =	stream.indirect.gather [hbm4b:s1+s28], $0x80, s24, s28, $0xb8;
	[tilespmem:$0x1E8A0] =	vst v63  }
0x83: {  	s5 =	sadd.s32 $0x0, s21  }
0x84: {  	[tilespmem:s29], [sflag:$0x5] =	stream.linear.gather [hbm4b:s5+s4], $0x40, $0x38;
	[tilespmem:$0x1E8A0] =	vst v63  }
0x85: {  	_ =	swait.ge [sflag:s11], $0x2000  }
0x86: {  	[sflag:s11] =	ssyncset.done $0x0  }
0x87: {  	[sflag:s11] =	ssyncadd.s32 $0xFFFFE000  }
0x88: {  	_ =	swait.ge [sflag:s12], $0x40  }
0x89: {  	[sflag:s12] =	ssyncset.done $0x0  }
0x8a: {  	[sflag:s12] =	ssyncadd.s32 $0xFFFFFFC0  }
0x8b: {  	[spmem:s2] =	stream.indirect.scatter.add.f32 [tilespmem:s30], [sflag:$0xB], $0x80, s31, s28, $0xb8;
	[tilespmem:$0x1E8A0] =	vst v63  }
0x8c: {  	_ =	swait.ge [sflag:s25], $0x2000  }
0x8d: {  	[sflag:s25] =	ssyncset.done $0x0  }
0x8e: {  	s20 =	simm.s32 $0x140;
	s19 =	rddreg [dreg:$0x5];
	[sflag:s25] =	ssyncadd.s32 $0xFFFFE000  }
0x8f: {  	[tilespmem:s30], [sflag:$0x2] =	stream.indirect.gather [hbm4b:s1+s28], $0x80, s20, s28, $0xb8;
	[tilespmem:$0x1E8A0] =	vst v63  }
0x90: {  	s5 =	sadd.s32 $0x0, s19  }
0x91: {  	[tilespmem:s31], [sflag:$0x6] =	stream.linear.gather [hbm4b:s5+s4], $0x40, $0x38;
	[tilespmem:$0x1E8A0] =	vst v63  }
0x92: {  	_ =	swait.ge [sflag:s13], $0x2000  }
0x93: {  	[sflag:s13] =	ssyncset.done $0x0  }
0x94: {  	[sflag:s13] =	ssyncadd.s32 $0xFFFFE000  }
0x95: {  	_ =	swait.ge [sflag:s14], $0x40  }
0x96: {  	[sflag:s14] =	ssyncset.done $0x0  }
0x97: {  	[sflag:s14] =	ssyncadd.s32 $0xFFFFFFC0  }
0x98: {  	[spmem:s2] =	stream.indirect.scatter.add.f32 [tilespmem:s0], [sflag:$0xB], $0x80, s3, s28, $0xb8;
	[tilespmem:$0x1E8A0] =	vst v63  }
0x99: {  	_ =	swait.ge [sflag:s25], $0x2000  }
0x9a: {  	[sflag:s25] =	ssyncset.done $0x0  }
0x9b: {  	s24 =	simm.s32 $0x180;
	s21 =	rddreg [dreg:$0x8];
	[sflag:s25] =	ssyncadd.s32 $0xFFFFE000  }
0x9c: {  	[tilespmem:s0], [sflag:$0x3] =	stream.indirect.gather [hbm4b:s1+s28], $0x80, s24, s28, $0xb8;
	[tilespmem:$0x1E8A0] =	vst v63  }
0x9d: {  	s5 =	sadd.s32 $0x0, s21  }
0x9e: {  	[tilespmem:s3], [sflag:$0x7] =	stream.linear.gather [hbm4b:s5+s4], $0x40, $0x38;
	[tilespmem:$0x1E8A0] =	vst v63  }
0x9f: {  	_ =	swait.ge [sflag:s15], $0x2000  }
0xa0: {  	[sflag:s15] =	ssyncset.done $0x0  }
0xa1: {  	[sflag:s15] =	ssyncadd.s32 $0xFFFFE000  }
0xa2: {  	_ =	swait.ge [sflag:s17], $0x40  }
0xa3: {  	[sflag:s17] =	ssyncset.done $0x0  }
0xa4: {  	[sflag:s17] =	ssyncadd.s32 $0xFFFFFFC0  }
0xa5: {  	[spmem:s2] =	stream.indirect.scatter.add.f32 [tilespmem:s7], [sflag:$0xB], $0x80, s8, s28, $0xb8;
	[tilespmem:$0x1E8A0] =	vst v63  }
0xa6: {  	s5 =	simm.s32 $0x20;
	_ =	swait.ge [sflag:s25], $0x2000  }
.LBB2_4:
0xa7: {  	s20 =	rddreg [dreg:$0x7];
	[sflag:s25] =	ssyncset.done $0x0;
	s24 =	sadd.s32 $0x100, s24  }
0xa8: {  	s18 =	smov.u32 s5;
	s21 =	sadd.s32 $0xFFFFFF40, s24;
	[sflag:s25] =	ssyncadd.s32 $0xFFFFE000  }
0xa9: {  	[tilespmem:s7], [sflag:$0x4] =	stream.indirect.gather [hbm4b:s1+s28], $0x80, s21, s28, $0xb8;
	[tilespmem:$0x1E8A0] =	vst v63  }
0xaa: {  	s20 =	sadd.s32 s18, s20  }
0xab: {  	[tilespmem:s8], [sflag:$0x8] =	stream.linear.gather [hbm4b:s20+s4], $0x40, $0x38;
	[tilespmem:$0x1E8A0] =	vst v63  }
0xac: {  	_ =	swait.ge [sflag:s9], $0x2000  }
0xad: {  	[sflag:s9] =	ssyncset.done $0x0  }
0xae: {  	[sflag:s9] =	ssyncadd.s32 $0xFFFFE000  }
0xaf: {  	_ =	swait.ge [sflag:s10], $0x40  }
0xb0: {  	[sflag:s10] =	ssyncset.done $0x0  }
0xb1: {  	[sflag:s10] =	ssyncadd.s32 $0xFFFFFFC0  }
0xb2: {  	[spmem:s2] =	stream.indirect.scatter.add.f32 [tilespmem:s26], [sflag:$0xB], $0x80, s29, s28, $0xb8;
	[tilespmem:$0x1E8A0] =	vst v63  }
0xb3: {  	_ =	swait.ge [sflag:s25], $0x2000  }
0xb4: {  	s19 =	sadd.s32 $0x20, s5;
	p1 =	sne.s32 s5, $0x4A0;
	[sflag:s25] =	ssyncset.done $0x0  }
0xb5: {  	s21 =	sadd.s32 $0xFFFFFF80, s24;
	s5 =	rddreg [dreg:$0x6];
	[sflag:s25] =	ssyncadd.s32 $0xFFFFE000  }
0xb6: {  	[tilespmem:s26], [sflag:$0x1] =	stream.indirect.gather [hbm4b:s1+s28], $0x80, s21, s28, $0xb8;
	[tilespmem:$0x1E8A0] =	vst v63  }
0xb7: {  	s5 =	sadd.s32 s18, s5  }
0xb8: {  	[tilespmem:s29], [sflag:$0x5] =	stream.linear.gather [hbm4b:s5+s4], $0x40, $0x38;
	[tilespmem:$0x1E8A0] =	vst v63  }
0xb9: {  	_ =	swait.ge [sflag:s11], $0x2000  }
0xba: {  	[sflag:s11] =	ssyncset.done $0x0  }
0xbb: {  	[sflag:s11] =	ssyncadd.s32 $0xFFFFE000  }
0xbc: {  	_ =	swait.ge [sflag:s12], $0x40  }
0xbd: {  	[sflag:s12] =	ssyncset.done $0x0  }
0xbe: {  	[sflag:s12] =	ssyncadd.s32 $0xFFFFFFC0  }
0xbf: {  	[spmem:s2] =	stream.indirect.scatter.add.f32 [tilespmem:s30], [sflag:$0xB], $0x80, s31, s28, $0xb8;
	[tilespmem:$0x1E8A0] =	vst v63  }
0xc0: {  	_ =	swait.ge [sflag:s25], $0x2000  }
0xc1: {  	[sflag:s25] =	ssyncset.done $0x0  }
0xc2: {  	s21 =	sadd.s32 $0xFFFFFFC0, s24;
	s5 =	rddreg [dreg:$0x5];
	[sflag:s25] =	ssyncadd.s32 $0xFFFFE000  }
0xc3: {  	[tilespmem:s30], [sflag:$0x2] =	stream.indirect.gather [hbm4b:s1+s28], $0x80, s21, s28, $0xb8;
	[tilespmem:$0x1E8A0] =	vst v63  }
0xc4: {  	s5 =	sadd.s32 s18, s5  }
0xc5: {  	[tilespmem:s31], [sflag:$0x6] =	stream.linear.gather [hbm4b:s5+s4], $0x40, $0x38;
	[tilespmem:$0x1E8A0] =	vst v63  }
0xc6: {  	_ =	swait.ge [sflag:s13], $0x2000  }
0xc7: {  	[sflag:s13] =	ssyncset.done $0x0  }
0xc8: {  	[sflag:s13] =	ssyncadd.s32 $0xFFFFE000  }
0xc9: {  	_ =	swait.ge [sflag:s14], $0x40  }
0xca: {  	[sflag:s14] =	ssyncset.done $0x0  }
0xcb: {  	[sflag:s14] =	ssyncadd.s32 $0xFFFFFFC0  }
0xcc: {  	[spmem:s2] =	stream.indirect.scatter.add.f32 [tilespmem:s0], [sflag:$0xB], $0x80, s3, s28, $0xb8;
	[tilespmem:$0x1E8A0] =	vst v63  }
0xcd: {  	_ =	swait.ge [sflag:s25], $0x2000  }
0xce: {  	[sflag:s25] =	ssyncset.done $0x0  }
0xcf: {  	s21 =	rddreg [dreg:$0x8];
	[sflag:s25] =	ssyncadd.s32 $0xFFFFE000  }
0xd0: {  	[tilespmem:s0], [sflag:$0x3] =	stream.indirect.gather [hbm4b:s1+s28], $0x80, s24, s28, $0xb8;
	[tilespmem:$0x1E8A0] =	vst v63  }
0xd1: {  	s5 =	sadd.s32 s18, s21  }
0xd2: {  	[tilespmem:s3], [sflag:$0x7] =	stream.linear.gather [hbm4b:s5+s4], $0x40, $0x38;
	[tilespmem:$0x1E8A0] =	vst v63  }
0xd3: {  	_ =	swait.ge [sflag:s15], $0x2000  }
0xd4: {  	[sflag:s15] =	ssyncset.done $0x0  }
0xd5: {  	[sflag:s15] =	ssyncadd.s32 $0xFFFFE000  }
.Ltmp1:
0xd6: {  	_ =	swait.ge [sflag:s17], $0x40;
	(pc) =	sbr.rel @p1 .LBB2_4-.Ltmp1, $4  }
0xd7: {  	[sflag:s17] =	ssyncset.done $0x0  }
0xd8: {  	[sflag:s17] =	ssyncadd.s32 $0xFFFFFFC0  }
0xd9: {  	[spmem:s2] =	stream.indirect.scatter.add.f32 [tilespmem:s7], [sflag:$0xB], $0x80, s8, s28, $0xb8;
	[tilespmem:$0x1E8A0] =	vst v63  }
0xda: {  	s5 =	smov.u32 s19;
	_ =	swait.ge [sflag:s25], $0x2000  }
0xdb: {  	[sflag:s25] =	ssyncset.done $0x0  }
0xdc: {  	s5 =	simm.s32 $0x26C0;
	[sflag:s25] =	ssyncadd.s32 $0xFFFFE000  }
0xdd: {  	[tilespmem:s7], [sflag:$0x4] =	stream.indirect.gather [hbm4b:s1+s28], $0x80, s5, s28, $0xb8;
	[tilespmem:$0x1E8A0] =	vst v63  }
0xde: {  	s19 =	rddreg [dreg:$0x17]  }
0xdf: {  	[tilespmem:s8], [sflag:$0x8] =	stream.linear.gather [hbm4b:s19+s4], $0x40, $0x38;
	[tilespmem:$0x1E8A0] =	vst v63  }
0xe0: {  	_ =	swait.ge [sflag:s9], $0x2000  }
0xe1: {  	[sflag:s9] =	ssyncset.done $0x0  }
0xe2: {  	[sflag:s9] =	ssyncadd.s32 $0xFFFFE000  }
0xe3: {  	_ =	swait.ge [sflag:s10], $0x40  }
0xe4: {  	[sflag:s10] =	ssyncset.done $0x0  }
0xe5: {  	[sflag:s10] =	ssyncadd.s32 $0xFFFFFFC0  }
0xe6: {  	[spmem:s2] =	stream.indirect.scatter.add.f32 [tilespmem:s26], [sflag:$0xB], $0x80, s29, s28, $0xb8;
	[tilespmem:$0x1E8A0] =	vst v63  }
0xe7: {  	_ =	swait.ge [sflag:s25], $0x2000  }
0xe8: {  	s18 =	simm.s32 $0x10;
	[sflag:s25] =	ssyncset.done $0x0  }
0xe9: {  	s20 =	simm.s32 $0x2700;
	s19 =	simm.s32 $0x1E0A0;
	[sflag:s25] =	ssyncadd.s32 $0xFFFFE000  }
0xea: {  	[tilespmem:s19], [sflag:$0x9] =	stream.indirect.gather [hbm4b:s1+s18], $0x80, s20, s18, $0xb8;
	[tilespmem:$0x1E8A0] =	vst v63  }
0xeb: {  	s21 =	rddreg [dreg:$0x18];
	s20 =	simm.s32 $0x1E090  }
0xec: {  	[tilespmem:s20], [sflag:$0xA] =	stream.linear.gather [hbm4b:s21+s4], $0x10, $0x38;
	[tilespmem:$0x1E8A0] =	vst v63  }
0xed: {  	_ =	swait.ge [sflag:s11], $0x2000  }
0xee: {  	[sflag:s11] =	ssyncset.done $0x0  }
0xef: {  	[sflag:s11] =	ssyncadd.s32 $0xFFFFE000  }
0xf0: {  	_ =	swait.ge [sflag:s12], $0x40  }
0xf1: {  	[sflag:s12] =	ssyncset.done $0x0  }
0xf2: {  	[sflag:s12] =	ssyncadd.s32 $0xFFFFFFC0  }
0xf3: {  	[spmem:s2] =	stream.indirect.scatter.add.f32 [tilespmem:s30], [sflag:$0xB], $0x80, s31, s28, $0xb8;
	[tilespmem:$0x1E8A0] =	vst v63  }
0xf4: {  	_ =	swait.ge [sflag:s25], $0x2000  }
0xf5: {  	[sflag:s25] =	ssyncset.done $0x0  }
0xf6: {  	[sflag:s25] =	ssyncadd.s32 $0xFFFFE000  }
0xf7: {  	_ =	swait.ge [sflag:s13], $0x2000  }
0xf8: {  	[sflag:s13] =	ssyncset.done $0x0  }
0xf9: {  	[sflag:s13] =	ssyncadd.s32 $0xFFFFE000  }
0xfa: {  	_ =	swait.ge [sflag:s14], $0x40  }
0xfb: {  	[sflag:s14] =	ssyncset.done $0x0  }
0xfc: {  	[sflag:s14] =	ssyncadd.s32 $0xFFFFFFC0  }
0xfd: {  	[spmem:s2] =	stream.indirect.scatter.add.f32 [tilespmem:s0], [sflag:$0xB], $0x80, s3, s28, $0xb8;
	[tilespmem:$0x1E8A0] =	vst v63  }
0xfe: {  	_ =	swait.ge [sflag:s25], $0x2000  }
0xff: {  	[sflag:s25] =	ssyncset.done $0x0  }
0x100: {  	[sflag:s25] =	ssyncadd.s32 $0xFFFFE000  }
0x101: {  	_ =	swait.ge [sflag:s15], $0x2000  }
0x102: {  	[sflag:s15] =	ssyncset.done $0x0  }
0x103: {  	[sflag:s15] =	ssyncadd.s32 $0xFFFFE000  }
0x104: {  	_ =	swait.ge [sflag:s17], $0x40  }
0x105: {  	[sflag:s17] =	ssyncset.done $0x0  }
0x106: {  	[sflag:s17] =	ssyncadd.s32 $0xFFFFFFC0  }
0x107: {  	[spmem:s2] =	stream.indirect.scatter.add.f32 [tilespmem:s7], [sflag:$0xB], $0x80, s8, s28, $0xb8;
	[tilespmem:$0x1E8A0] =	vst v63  }
0x108: {  	_ =	swait.ge [sflag:s25], $0x2000  }
0x109: {  	[sflag:s25] =	ssyncset.done $0x0  }
0x10a: {  	s24 =	simm.s32 $0x9;
	[sflag:s25] =	ssyncadd.s32 $0xFFFFE000  }
0x10b: {  	_ =	swait.ge [sflag:s24], $0x800  }
0x10c: {  	[sflag:s24] =	ssyncset.done $0x0  }
0x10d: {  	[sflag:s24] =	ssyncadd.s32 $0xFFFFF800  }
0x10e: {  	_ =	swait.ge [sflag:s22], $0x10  }
0x10f: {  	[sflag:s22] =	ssyncset.done $0x0  }
0x110: {  	[sflag:s22] =	ssyncadd.s32 $0xFFFFFFF0  }
0x111: {  	[spmem:s2] =	stream.indirect.scatter.add.f32 [tilespmem:s19], [sflag:$0xB], $0x80, s20, s18, $0xb8;
	[tilespmem:$0x1E8A0] =	vst v63  }
0x112: {  	_ =	swait.ge [sflag:s25], $0x800  }
0x113: {  	[sflag:s25] =	ssyncset.done $0x0  }
0x114: {  	s19 =	stileid.u32;
	[sflag:s25] =	ssyncadd.s32 $0xFFFFF800  }
0x115: {  	s5 =	sshll.u32 s19, $0x6;
	[bflag:$0x0] =	sbarrier.arrive $0xFFFF  }
0x116: {  	s20 =	sshrl.u32 s6, $0x3;
	s5 =	sor.u32 $0x1C0B, s5;
	s21 =	rddreg [dreg:$0x14]  }
0x117: {  	[hbm:s21], [sflag:s5] =	dma.local [spmem:s20], $0x2700  }
0x118: {  	_ =	swait.ge [sflag:s25], $0x2700  }
0x119: {  	[sflag:s25] =	ssyncset.done $0x0  }
0x11a: {  	s18 =	sshrl.u32 @!p0 s16, $0x3;
	s19 =	rddreg [dreg:$0x19];
	[sflag:s25] =	ssyncadd.s32 $0xFFFFD900  }
0x11b: {  	[hbm:s19], [sflag:s5] =	dma.local @!p0 [spmem:s18], $0x100  }
0x11c: {  	s5 =	simm.s32 @!p0 $0xB  }
0x11d: {  	_ =	swait.ge @!p0 [sflag:s5], $0x100  }
0x11e: {  	s23 =	sadd.s32 $0x1, s23;
	s24 =	rddreg [dreg:$0x1a]  }
0x11f: {  	p1 =	sne.s32 s23, s24  }
.Ltmp2:
0x120: {  	_ = 	snop;
	(pc) =	sbr.rel @p1 .LBB2_1-.Ltmp2, $3  }
0x121: {  	_ =	sdelay $0x1  }
0x122: {  	[sflag:s5] =	ssyncset.done @!p0 $0x0  }
0x123: {  	[sflag:s5] =	ssyncadd.s32 @!p0 $0xFFFFFF00  }
0x124: {  	_ =	sfence.sel $0x180000  }
0x125: {  	[bflag:$0x0] =	sbarrier.arrive $0xFFFF  }
0x126: {  	_ =	strace $0x90000047  }
0x127: {  	s0 =	stileid.u32;
	[bflag:$0x2] =	sbarrier.arrive $0xFFFF  }
0x128: {  	p0 =	sne.s32 s0, $0x0;
	s0 =	rddreg [dreg:$0x4]  }
0x129: {  	s0 =	sadd.s32 @!p0 $0x100000, s0  }
0x12a: {  	[sflag:s0] =	ssyncadd.tile.s32 @!p0 $0x1;
	_ =	shalt  }
.Lfunc_end2:
_tile_overlayer_lowered:
.L_overlay_start_2:
0x12b: {  	(tag) =	ssettag $0x2  }
0x12c: {  	s0 =	rddreg [dreg:$0x0];
	s2 =	stileid.u32  }
0x12d: {  	s1 =	rddreg [dreg:$0x1];
	p0 =	sne.s32 s2, $0x0  }
0x12e: {  	s3 =	rddreg [dreg:$0x2];
	[bflag:$0x3] =	sbarrier.arrive $0xFFFF;
	s2 =	simm.s32 @!p0 $0x1C0B  }
0x12f: {  	[timem:s3], [sflag:s2] =	dma.local @!p0 [hbm:s0], s1  }
0x130: {  	s0 =	simm.s32 @!p0 $0xB  }
0x131: {  	_ =	swait.ge @!p0 [sflag:s0], s1  }
0x132: {  	s1 =	ssub.s32 @!p0 $0x0, s1;
	[sflag:s0] =	ssyncset.done @!p0 $0x0  }
0x133: {  	[sflag:s0] =	ssyncadd.s32 @!p0 s1  }
0x134: {  	[bflag:$0x3] =	sbarrier.arrive $0xFFFF  }
0x135: {  	_ =	shalt  }

</sc_bundles>
